<compile_context>
chip_gen: v7x
topology: tpu7x:2x2x1
jax: 0.10.2.dev20260603
libtpu: 0.0.44.dev20260713+nightly
codegen_flags: <defaults>
</compile_context>

<pallas_src>
import functools

import jax
import jax.numpy as jnp
from jax import lax
from jax.experimental import pallas as pl
from jax.experimental.pallas import tpu as pltpu
from jax.experimental.pallas import tpu_sc as plsc

B = 4096
NCAT = 26
NCONT = 13
VOCAB = 100000
ED = 32
NEMB = NCAT * ED
L1 = 512
L2 = 256
NCLS = 2
EPS = 1e-5

_NC = 2
_NS = 16
_NW = _NC * _NS


_VMAIN = 99968
_ALEN = 50176
_BLEN = _VMAIN - _ALEN
_ACH = ((0, 25088), (25088, 25088))
_BCH = ((50176, 25088), (75264, 24704))


def _sc_gather_body(t3_hbm, tail_hbm, xcatt_hbm, out_hbm,
                    ra_v, rb_v, tail_v, xf_v, res_v, sema, semb, sem2):
    w = lax.axis_index("s") * _NC + lax.axis_index("c")

    def start_a(c):
        for o, l in _ACH:
            pltpu.make_async_copy(t3_hbm.at[c, w, pl.ds(o, l)],
                                  ra_v.at[pl.ds(o, l)], sema).start()

    def start_b(c):
        for o, l in _BCH:
            pltpu.make_async_copy(t3_hbm.at[c, w, pl.ds(o, l)],
                                  rb_v.at[pl.ds(o - _ALEN, l)], semb).start()

    def start_small(c):
        pltpu.make_async_copy(xcatt_hbm.at[c, :], xf_v, sem2).start()
        pltpu.make_async_copy(tail_hbm.at[c, w, :], tail_v, sem2).start()

    def wait_a():
        for o, l in _ACH:
            pltpu.make_async_copy(t3_hbm.at[0, w, pl.ds(o, l)],
                                  ra_v.at[pl.ds(o, l)], sema).wait()

    def wait_b():
        for o, l in _BCH:
            pltpu.make_async_copy(t3_hbm.at[0, w, pl.ds(o, l)],
                                  rb_v.at[pl.ds(o - _ALEN, l)], semb).wait()

    def wait_small():
        pltpu.make_async_copy(xcatt_hbm.at[0, :], xf_v, sem2).wait()
        pltpu.make_async_copy(tail_hbm.at[0, w, :], tail_v, sem2).wait()

    start_a(0)
    start_small(0)
    start_b(0)

    def field_body(c, carry):
        cn = jnp.minimum(c + 1, NCAT - 1)
        wait_small()
        wait_a()

        def pass1(m, carry2):
            for u in range(16):
                off = m * 256 + u * 16
                vi = xf_v[pl.ds(off, 16)].astype(jnp.int32)
                va = jnp.minimum(vi, _ALEN - 1)
                res_v[pl.ds(off, 16)] = plsc.load_gather(ra_v, [va])
            return carry2

        lax.fori_loop(0, B // 256, pass1, 0)
        start_a(cn)
        wait_b()

        def pass2(m, carry2):
            for u in range(16):
                off = m * 256 + u * 16
                vi = xf_v[pl.ds(off, 16)].astype(jnp.int32)
                vb = jnp.clip(vi - _ALEN, 0, _BLEN - 1)
                vt = jnp.clip(vi - _VMAIN, 0, VOCAB - _VMAIN - 1)
                hb = plsc.load_gather(rb_v, [vb])
                ht = plsc.load_gather(tail_v, [vt])
                prev = res_v[pl.ds(off, 16)]
                mid = jnp.where(vi >= _ALEN, hb, prev)
                res_v[pl.ds(off, 16)] = jnp.where(vi >= _VMAIN, ht, mid)
            return carry2

        lax.fori_loop(0, B // 256, pass2, 0)
        pltpu.sync_copy(res_v, out_hbm.at[c * _NW + w, :])
        start_small(cn)
        start_b(cn)
        return carry

    lax.fori_loop(0, NCAT, field_body, 0)
    wait_small()
    wait_a()
    wait_b()


def _make_sc_gather():
    return functools.partial(
        pl.kernel,
        out_type=jax.ShapeDtypeStruct((NEMB, B), jnp.float32),
        mesh=plsc.VectorSubcoreMesh(core_axis_name="c", subcore_axis_name="s",
                                    num_cores=_NC, num_subcores=_NS),
        scratch_types=[
            pltpu.VMEM((_ALEN,), jnp.float32),
            pltpu.VMEM((_BLEN,), jnp.float32),
            pltpu.VMEM((VOCAB - _VMAIN,), jnp.float32),
            pltpu.VMEM((B,), jnp.float32),
            pltpu.VMEM((B,), jnp.float32),
            pltpu.SemaphoreType.DMA,
            pltpu.SemaphoreType.DMA,
            pltpu.SemaphoreType.DMA,
        ],
        compiler_params=pltpu.CompilerParams(needs_layout_passes=False),
    )(_sc_gather_body)


def _bn_cols(v, g, b):
    m = jnp.mean(v, axis=0, keepdims=True)
    vm = v - m
    var = jnp.mean(vm * vm, axis=0, keepdims=True)
    return vm * lax.rsqrt(var + EPS) * g + b


def _mlp_body(x1t_ref, xc_ref, w1a_ref, w1b_ref, b1_ref, w2_ref, b2_ref,
              w3_ref, b3_ref, g1_ref, be1_ref, g2_ref, be2_ref, g3_ref,
              be3_ref, out_ref):
    x2 = _bn_cols(xc_ref[:], g1_ref[:], be1_ref[:])
    h = lax.dot_general(x1t_ref[:], w1a_ref[:], (((0,), (0,)), ((), ())),
                        preferred_element_type=jnp.float32)
    h = h + jnp.dot(x2, w1b_ref[:], preferred_element_type=jnp.float32)
    h = jnp.maximum(h + b1_ref[:], 0.0)
    h = _bn_cols(h, g2_ref[:], be2_ref[:])
    h = jnp.dot(h, w2_ref[:], preferred_element_type=jnp.float32)
    h = jnp.maximum(h + b2_ref[:], 0.0)
    h = _bn_cols(h, g3_ref[:], be3_ref[:])
    out_ref[:] = (
        jnp.dot(h, w3_ref[:], preferred_element_type=jnp.float32) + b3_ref[:]
    )


_mlp = pl.pallas_call(
    _mlp_body,
    out_shape=jax.ShapeDtypeStruct((B, NCLS), jnp.float32),
)


def kernel(x, emb_tables, W1, b1, W2, b2, W3, b3, g1, be1, g2, be2, g3, be3):
    t3 = jnp.swapaxes(emb_tables, 1, 2)
    tail = lax.slice(t3, (0, 0, _VMAIN), (NCAT, ED, VOCAB))
    xcatt = x[:, :NCAT].T
    x1t = _make_sc_gather()(t3, tail, xcatt)
    xc = x[:, NCAT:]
    return _mlp(
        x1t, xc, W1[:NEMB], W1[NEMB:], b1.reshape(1, L1), W2,
        b2.reshape(1, L2), W3, b3.reshape(1, NCLS), g1.reshape(1, NCONT),
        be1.reshape(1, NCONT), g2.reshape(1, L1), be2.reshape(1, L1),
        g3.reshape(1, L2), be3.reshape(1, L2),
    )

# --- scband reference (transcript-rebuilt; emitter-appended) ---
"""Pipeline reference for scband-tabluar-model-16475494547617 (READ-ONLY COPY).

The authoritative reference and input builder live on the scoring server;
editing this copy changes nothing except your own understanding.
"""

import jax, jax.numpy as jnp
import numpy as np

B = 4096
NCAT = 26
NCONT = 13
VOCAB = 100000
ED = 32
L1 = 512
L2 = 256
NC = 2
N_EMB = NCAT * ED
EPS = 1e-5


def setup_inputs(seed: int = 0) -> dict:
    key = jax.random.key(seed)
    ks = [jax.random.fold_in(key, i) for i in range(8)]
    # single float input: first 26 columns are categorical indices stored as floats,
    # last 13 columns are continuous features (here: randint values, BN normalizes them)
    x = jax.random.randint(ks[0], (B, NCAT + NCONT), 0, VOCAB).astype(jnp.float32)
    emb_tables = jax.random.normal(ks[1], (NCAT, VOCAB, ED), dtype=jnp.float32) * 0.01
    W1 = jax.random.normal(ks[2], (N_EMB + NCONT, L1), dtype=jnp.float32) * 0.02
    b1 = jnp.zeros((L1,), dtype=jnp.float32)
    W2 = jax.random.normal(ks[3], (L1, L2), dtype=jnp.float32) * 0.02
    b2 = jnp.zeros((L2,), dtype=jnp.float32)
    W3 = jax.random.normal(ks[4], (L2, NC), dtype=jnp.float32) * 0.02
    b3 = jnp.zeros((NC,), dtype=jnp.float32)
    g1 = jnp.ones((NCONT,), dtype=jnp.float32); be1 = jnp.zeros((NCONT,), dtype=jnp.float32)
    g2 = jnp.ones((L1,), dtype=jnp.float32); be2 = jnp.zeros((L1,), dtype=jnp.float32)
    g3 = jnp.ones((L2,), dtype=jnp.float32); be3 = jnp.zeros((L2,), dtype=jnp.float32)
    return {"x": x, "emb_tables": emb_tables, "W1": W1, "b1": b1, "W2": W2, "b2": b2,
            "W3": W3, "b3": b3, "g1": g1, "be1": be1, "g2": g2, "be2": be2, "g3": g3, "be3": be3}


def _bn(v, g, b):
    # BatchNorm1d in training mode: batch statistics, biased variance
    m = jnp.mean(v, axis=0)
    var = jnp.var(v, axis=0)
    return (v - m) / jnp.sqrt(var + EPS) * g + b


def reference(x, emb_tables, W1, b1, W2, b2, W3, b3, g1, be1, g2, be2, g3, be3):
    x_cat = x[:, :NCAT].astype(jnp.int32)
    x_cont = x[:, NCAT:]
    # per-field embedding lookup (gather) then concat
    embs = [jnp.take(emb_tables[i], x_cat[:, i], axis=0) for i in range(NCAT)]
    x1 = jnp.concatenate(embs, axis=1)  # [B, 26*32]
    x2 = _bn(x_cont, g1, be1)
    h = jnp.concatenate([x1, x2], axis=1)
    h = jax.nn.relu(h @ W1 + b1)
    h = _bn(h, g2, be2)
    h = jax.nn.relu(h @ W2 + b2)
    h = _bn(h, g3, be3)
    return h @ W3 + b3

if __name__ == "__main__":
    import jax
    _d = setup_inputs()
    print(jax.jit(kernel)(*tuple(_d.values())))

</pallas_src>

<mosaic_0001>
#map = affine_map<(d0, d1) -> (0, 0, 0)>
#map1 = affine_map<(d0, d1) -> (0, 0)>
module attributes {stable_mosaic.version = 14 : i64} {
  func.func @_sc_gather_body(%arg0: i32, %arg1: i32, %arg2: memref<26x32x100000xf32, #tpu.memory_space<hbm>>, %arg3: memref<26x32x32xf32, #tpu.memory_space<hbm>>, %arg4: memref<26x4096xf32, #tpu.memory_space<hbm>>, %arg5: memref<832x4096xf32, #tpu.memory_space<hbm>>, %arg6: memref<50176xf32, #tpu.memory_space<vmem>>, %arg7: memref<49792xf32, #tpu.memory_space<vmem>>, %arg8: memref<32xf32, #tpu.memory_space<vmem>>, %arg9: memref<4096xf32, #tpu.memory_space<vmem>>, %arg10: memref<4096xf32, #tpu.memory_space<vmem>>, %arg11: memref<!tpu.dma_semaphore, #tpu.memory_space<semaphore_mem>>, %arg12: memref<!tpu.dma_semaphore, #tpu.memory_space<semaphore_mem>>, %arg13: memref<!tpu.dma_semaphore, #tpu.memory_space<semaphore_mem>>) attributes {dimension_semantics = [#tpu.dimension_semantics<core_parallel>, #tpu.dimension_semantics<subcore_parallel>], iteration_bounds = array<i64: 2, 16>, scalar_prefetch = 0 : i64, scratch_operands = 8 : i64, tpu.core_type = #tpu.core_type<sc_vector_subcore>, window_params = [{transform_indices = #map}, {transform_indices = #map}, {transform_indices = #map1}, {transform_indices = #map1}]} {
    %mul3A = arith.constant 2 : i32
    %mul3A_0 = arith.muli %arg1, %mul3A : i32
    %add3A = arith.addi %mul3A_0, %arg0 : i32
    %dma_start3A = arith.constant 0 : i32
    %dma_start3A_1 = arith.constant 0 : i32
    %dma_start3A_2 = tpu.memref_slice %arg6[%dma_start3A_1] : memref<50176xf32, #tpu.memory_space<vmem>> -> memref<25088xf32, #tpu.memory_space<vmem>>
    %dma_start3A_3 = arith.constant 0 : i32
    %dma_start3A_4 = tpu.memref_slice %arg2[%dma_start3A, %add3A, %dma_start3A_3] : memref<26x32x100000xf32, #tpu.memory_space<hbm>> -> memref<1x1x25088xf32, #tpu.memory_space<hbm>>
    %dma_start3A_5 = tpu.memref_squeeze %dma_start3A_4 : memref<1x1x25088xf32, #tpu.memory_space<hbm>> -> memref<25088xf32, #tpu.memory_space<hbm>>
    %dma_start3A_6 = arith.constant 0 : i32
    %dma_start3A_7 = tpu.memref_slice %arg6[%dma_start3A_6] : memref<50176xf32, #tpu.memory_space<vmem>> -> memref<25088xf32, #tpu.memory_space<vmem>>
    %dma_start3A_8 = arith.constant 0 : i32
    %dma_start3A_9 = tpu.memref_slice %arg2[%dma_start3A, %add3A, %dma_start3A_8] : memref<26x32x100000xf32, #tpu.memory_space<hbm>> -> memref<1x1x25088xf32, #tpu.memory_space<hbm>>
    %dma_start3A_10 = tpu.memref_squeeze %dma_start3A_9 : memref<1x1x25088xf32, #tpu.memory_space<hbm>> -> memref<25088xf32, #tpu.memory_space<hbm>>
    tpu.enqueue_dma source(%dma_start3A_10 : memref<25088xf32, #tpu.memory_space<hbm>>) target(%dma_start3A_7 : memref<25088xf32, #tpu.memory_space<vmem>>) target_semaphore(%arg11 : memref<!tpu.dma_semaphore, #tpu.memory_space<semaphore_mem>>)
    %dma_start3A_11 = arith.constant 0 : i32
    %dma_start3A_12 = arith.constant 25088 : i32
    %dma_start3A_13 = tpu.memref_slice %arg6[%dma_start3A_12] : memref<50176xf32, #tpu.memory_space<vmem>> -> memref<25088xf32, #tpu.memory_space<vmem>>
    %dma_start3A_14 = arith.constant 25088 : i32
    %dma_start3A_15 = tpu.memref_slice %arg2[%dma_start3A_11, %add3A, %dma_start3A_14] : memref<26x32x100000xf32, #tpu.memory_space<hbm>> -> memref<1x1x25088xf32, #tpu.memory_space<hbm>>
    %dma_start3A_16 = tpu.memref_squeeze %dma_start3A_15 : memref<1x1x25088xf32, #tpu.memory_space<hbm>> -> memref<25088xf32, #tpu.memory_space<hbm>>
    %dma_start3A_17 = arith.constant 25088 : i32
    %dma_start3A_18 = tpu.memref_slice %arg6[%dma_start3A_17] : memref<50176xf32, #tpu.memory_space<vmem>> -> memref<25088xf32, #tpu.memory_space<vmem>>
    %dma_start3A_19 = arith.constant 25088 : i32
    %dma_start3A_20 = tpu.memref_slice %arg2[%dma_start3A_11, %add3A, %dma_start3A_19] : memref<26x32x100000xf32, #tpu.memory_space<hbm>> -> memref<1x1x25088xf32, #tpu.memory_space<hbm>>
    %dma_start3A_21 = tpu.memref_squeeze %dma_start3A_20 : memref<1x1x25088xf32, #tpu.memory_space<hbm>> -> memref<25088xf32, #tpu.memory_space<hbm>>
    tpu.enqueue_dma source(%dma_start3A_21 : memref<25088xf32, #tpu.memory_space<hbm>>) target(%dma_start3A_18 : memref<25088xf32, #tpu.memory_space<vmem>>) target_semaphore(%arg11 : memref<!tpu.dma_semaphore, #tpu.memory_space<semaphore_mem>>)
    %dma_start3A_22 = arith.constant 0 : i32
    %dma_start3A_23 = arith.constant 0 : i32
    %dma_start3A_24 = tpu.memref_slice %arg4[%dma_start3A_22, %dma_start3A_23] : memref<26x4096xf32, #tpu.memory_space<hbm>> -> memref<1x4096xf32, #tpu.memory_space<hbm>>
    %dma_start3A_25 = tpu.memref_squeeze %dma_start3A_24 : memref<1x4096xf32, #tpu.memory_space<hbm>> -> memref<4096xf32, #tpu.memory_space<hbm>>
    %dma_start3A_26 = arith.constant 0 : i32
    %dma_start3A_27 = tpu.memref_slice %arg4[%dma_start3A_22, %dma_start3A_26] : memref<26x4096xf32, #tpu.memory_space<hbm>> -> memref<1x4096xf32, #tpu.memory_space<hbm>>
    %dma_start3A_28 = tpu.memref_squeeze %dma_start3A_27 : memref<1x4096xf32, #tpu.memory_space<hbm>> -> memref<4096xf32, #tpu.memory_space<hbm>>
    tpu.enqueue_dma source(%dma_start3A_28 : memref<4096xf32, #tpu.memory_space<hbm>>) target(%arg9 : memref<4096xf32, #tpu.memory_space<vmem>>) target_semaphore(%arg13 : memref<!tpu.dma_semaphore, #tpu.memory_space<semaphore_mem>>)
    %dma_start3A_29 = arith.constant 0 : i32
    %dma_start3A_30 = arith.constant 0 : i32
    %dma_start3A_31 = tpu.memref_slice %arg3[%dma_start3A_29, %add3A, %dma_start3A_30] : memref<26x32x32xf32, #tpu.memory_space<hbm>> -> memref<1x1x32xf32, #tpu.memory_space<hbm>>
    %dma_start3A_32 = tpu.memref_squeeze %dma_start3A_31 : memref<1x1x32xf32, #tpu.memory_space<hbm>> -> memref<32xf32, #tpu.memory_space<hbm>>
    %dma_start3A_33 = arith.constant 0 : i32
    %dma_start3A_34 = tpu.memref_slice %arg3[%dma_start3A_29, %add3A, %dma_start3A_33] : memref<26x32x32xf32, #tpu.memory_space<hbm>> -> memref<1x1x32xf32, #tpu.memory_space<hbm>>
    %dma_start3A_35 = tpu.memref_squeeze %dma_start3A_34 : memref<1x1x32xf32, #tpu.memory_space<hbm>> -> memref<32xf32, #tpu.memory_space<hbm>>
    tpu.enqueue_dma source(%dma_start3A_35 : memref<32xf32, #tpu.memory_space<hbm>>) target(%arg8 : memref<32xf32, #tpu.memory_space<vmem>>) target_semaphore(%arg13 : memref<!tpu.dma_semaphore, #tpu.memory_space<semaphore_mem>>)
    %dma_start3A_36 = arith.constant 0 : i32
    %dma_start3A_37 = arith.constant 0 : i32
    %dma_start3A_38 = tpu.memref_slice %arg7[%dma_start3A_37] : memref<49792xf32, #tpu.memory_space<vmem>> -> memref<25088xf32, #tpu.memory_space<vmem>>
    %dma_start3A_39 = arith.constant 50176 : i32
    %dma_start3A_40 = tpu.memref_slice %arg2[%dma_start3A_36, %add3A, %dma_start3A_39] : memref<26x32x100000xf32, #tpu.memory_space<hbm>> -> memref<1x1x25088xf32, #tpu.memory_space<hbm>>
    %dma_start3A_41 = tpu.memref_squeeze %dma_start3A_40 : memref<1x1x25088xf32, #tpu.memory_space<hbm>> -> memref<25088xf32, #tpu.memory_space<hbm>>
    %dma_start3A_42 = arith.constant 0 : i32
    %dma_start3A_43 = tpu.memref_slice %arg7[%dma_start3A_42] : memref<49792xf32, #tpu.memory_space<vmem>> -> memref<25088xf32, #tpu.memory_space<vmem>>
    %dma_start3A_44 = arith.constant 50176 : i32
    %dma_start3A_45 = tpu.memref_slice %arg2[%dma_start3A_36, %add3A, %dma_start3A_44] : memref<26x32x100000xf32, #tpu.memory_space<hbm>> -> memref<1x1x25088xf32, #tpu.memory_space<hbm>>
    %dma_start3A_46 = tpu.memref_squeeze %dma_start3A_45 : memref<1x1x25088xf32, #tpu.memory_space<hbm>> -> memref<25088xf32, #tpu.memory_space<hbm>>
    tpu.enqueue_dma source(%dma_start3A_46 : memref<25088xf32, #tpu.memory_space<hbm>>) target(%dma_start3A_43 : memref<25088xf32, #tpu.memory_space<vmem>>) target_semaphore(%arg12 : memref<!tpu.dma_semaphore, #tpu.memory_space<semaphore_mem>>)
    %dma_start3A_47 = arith.constant 0 : i32
    %dma_start3A_48 = arith.constant 25088 : i32
    %dma_start3A_49 = tpu.memref_slice %arg7[%dma_start3A_48] : memref<49792xf32, #tpu.memory_space<vmem>> -> memref<24704xf32, #tpu.memory_space<vmem>>
    %dma_start3A_50 = arith.constant 75264 : i32
    %dma_start3A_51 = tpu.memref_slice %arg2[%dma_start3A_47, %add3A, %dma_start3A_50] : memref<26x32x100000xf32, #tpu.memory_space<hbm>> -> memref<1x1x24704xf32, #tpu.memory_space<hbm>>
    %dma_start3A_52 = tpu.memref_squeeze %dma_start3A_51 : memref<1x1x24704xf32, #tpu.memory_space<hbm>> -> memref<24704xf32, #tpu.memory_space<hbm>>
    %dma_start3A_53 = arith.constant 25088 : i32
    %dma_start3A_54 = tpu.memref_slice %arg7[%dma_start3A_53] : memref<49792xf32, #tpu.memory_space<vmem>> -> memref<24704xf32, #tpu.memory_space<vmem>>
    %dma_start3A_55 = arith.constant 75264 : i32
    %dma_start3A_56 = tpu.memref_slice %arg2[%dma_start3A_47, %add3A, %dma_start3A_55] : memref<26x32x100000xf32, #tpu.memory_space<hbm>> -> memref<1x1x24704xf32, #tpu.memory_space<hbm>>
    %dma_start3A_57 = tpu.memref_squeeze %dma_start3A_56 : memref<1x1x24704xf32, #tpu.memory_space<hbm>> -> memref<24704xf32, #tpu.memory_space<hbm>>
    tpu.enqueue_dma source(%dma_start3A_57 : memref<24704xf32, #tpu.memory_space<hbm>>) target(%dma_start3A_54 : memref<24704xf32, #tpu.memory_space<vmem>>) target_semaphore(%arg12 : memref<!tpu.dma_semaphore, #tpu.memory_space<semaphore_mem>>)
    %scan3A = arith.constant 0 : i32
    %scan3A_58 = arith.constant 0 : i32
    %scan3A_59 = arith.constant 26 : i32
    %scan3A_60 = arith.addi %scan3A_58, %scan3A_59 : i32
    %scan3A_61 = arith.constant 1 : i32
    scf.for %scan3A_120 = %scan3A_58 to %scan3A_60 step %scan3A_61  : i32 {
      %add3A_121 = arith.constant 1 : i32
      %add3A_122 = arith.addi %scan3A_120, %add3A_121 : i32
      %min3A = arith.constant 25 : i32
      %min3A_123 = arith.minsi %add3A_122, %min3A : i32
      %dma_wait3A_124 = arith.constant 0 : i32
      %dma_wait3A_125 = arith.constant 0 : i32
      %dma_wait3A_126 = tpu.memref_slice %arg4[%dma_wait3A_124, %dma_wait3A_125] : memref<26x4096xf32, #tpu.memory_space<hbm>> -> memref<1x4096xf32, #tpu.memory_space<hbm>>
      %dma_wait3A_127 = tpu.memref_squeeze %dma_wait3A_126 : memref<1x4096xf32, #tpu.memory_space<hbm>> -> memref<4096xf32, #tpu.memory_space<hbm>>
      %dma_wait3A_128 = arith.constant 0 : i32
      %dma_wait3A_129 = tpu.memref_slice %arg4[%dma_wait3A_124, %dma_wait3A_128] : memref<26x4096xf32, #tpu.memory_space<hbm>> -> memref<1x4096xf32, #tpu.memory_space<hbm>>
      %dma_wait3A_130 = tpu.memref_squeeze %dma_wait3A_129 : memref<1x4096xf32, #tpu.memory_space<hbm>> -> memref<4096xf32, #tpu.memory_space<hbm>>
      tpu.wait_dma2 semaphore(%arg13 : memref<!tpu.dma_semaphore, #tpu.memory_space<semaphore_mem>>) src(%dma_wait3A_130 : memref<4096xf32, #tpu.memory_space<hbm>>) dst(%arg9 : memref<4096xf32, #tpu.memory_space<vmem>>)
      %dma_wait3A_131 = arith.constant 0 : i32
      %dma_wait3A_132 = arith.constant 0 : i32
      %dma_wait3A_133 = tpu.memref_slice %arg3[%dma_wait3A_131, %add3A, %dma_wait3A_132] : memref<26x32x32xf32, #tpu.memory_space<hbm>> -> memref<1x1x32xf32, #tpu.memory_space<hbm>>
      %dma_wait3A_134 = tpu.memref_squeeze %dma_wait3A_133 : memref<1x1x32xf32, #tpu.memory_space<hbm>> -> memref<32xf32, #tpu.memory_space<hbm>>
      %dma_wait3A_135 = arith.constant 0 : i32
      %dma_wait3A_136 = tpu.memref_slice %arg3[%dma_wait3A_131, %add3A, %dma_wait3A_135] : memref<26x32x32xf32, #tpu.memory_space<hbm>> -> memref<1x1x32xf32, #tpu.memory_space<hbm>>
      %dma_wait3A_137 = tpu.memref_squeeze %dma_wait3A_136 : memref<1x1x32xf32, #tpu.memory_space<hbm>> -> memref<32xf32, #tpu.memory_space<hbm>>
      tpu.wait_dma2 semaphore(%arg13 : memref<!tpu.dma_semaphore, #tpu.memory_space<semaphore_mem>>) src(%dma_wait3A_137 : memref<32xf32, #tpu.memory_space<hbm>>) dst(%arg8 : memref<32xf32, #tpu.memory_space<vmem>>)
      %dma_wait3A_138 = arith.constant 0 : i32
      %dma_wait3A_139 = arith.constant 0 : i32
      %dma_wait3A_140 = tpu.memref_slice %arg6[%dma_wait3A_139] : memref<50176xf32, #tpu.memory_space<vmem>> -> memref<25088xf32, #tpu.memory_space<vmem>>
      %dma_wait3A_141 = arith.constant 0 : i32
      %dma_wait3A_142 = tpu.memref_slice %arg2[%dma_wait3A_138, %add3A, %dma_wait3A_141] : memref<26x32x100000xf32, #tpu.memory_space<hbm>> -> memref<1x1x25088xf32, #tpu.memory_space<hbm>>
      %dma_wait3A_143 = tpu.memref_squeeze %dma_wait3A_142 : memref<1x1x25088xf32, #tpu.memory_space<hbm>> -> memref<25088xf32, #tpu.memory_space<hbm>>
      %dma_wait3A_144 = arith.constant 0 : i32
      %dma_wait3A_145 = tpu.memref_slice %arg6[%dma_wait3A_144] : memref<50176xf32, #tpu.memory_space<vmem>> -> memref<25088xf32, #tpu.memory_space<vmem>>
      %dma_wait3A_146 = arith.constant 0 : i32
      %dma_wait3A_147 = tpu.memref_slice %arg2[%dma_wait3A_138, %add3A, %dma_wait3A_146] : memref<26x32x100000xf32, #tpu.memory_space<hbm>> -> memref<1x1x25088xf32, #tpu.memory_space<hbm>>
      %dma_wait3A_148 = tpu.memref_squeeze %dma_wait3A_147 : memref<1x1x25088xf32, #tpu.memory_space<hbm>> -> memref<25088xf32, #tpu.memory_space<hbm>>
      tpu.wait_dma2 semaphore(%arg11 : memref<!tpu.dma_semaphore, #tpu.memory_space<semaphore_mem>>) src(%dma_wait3A_148 : memref<25088xf32, #tpu.memory_space<hbm>>) dst(%dma_wait3A_145 : memref<25088xf32, #tpu.memory_space<vmem>>)
      %dma_wait3A_149 = arith.constant 0 : i32
      %dma_wait3A_150 = arith.constant 25088 : i32
      %dma_wait3A_151 = tpu.memref_slice %arg6[%dma_wait3A_150] : memref<50176xf32, #tpu.memory_space<vmem>> -> memref<25088xf32, #tpu.memory_space<vmem>>
      %dma_wait3A_152 = arith.constant 25088 : i32
      %dma_wait3A_153 = tpu.memref_slice %arg2[%dma_wait3A_149, %add3A, %dma_wait3A_152] : memref<26x32x100000xf32, #tpu.memory_space<hbm>> -> memref<1x1x25088xf32, #tpu.memory_space<hbm>>
      %dma_wait3A_154 = tpu.memref_squeeze %dma_wait3A_153 : memref<1x1x25088xf32, #tpu.memory_space<hbm>> -> memref<25088xf32, #tpu.memory_space<hbm>>
      %dma_wait3A_155 = arith.constant 25088 : i32
      %dma_wait3A_156 = tpu.memref_slice %arg6[%dma_wait3A_155] : memref<50176xf32, #tpu.memory_space<vmem>> -> memref<25088xf32, #tpu.memory_space<vmem>>
      %dma_wait3A_157 = arith.constant 25088 : i32
      %dma_wait3A_158 = tpu.memref_slice %arg2[%dma_wait3A_149, %add3A, %dma_wait3A_157] : memref<26x32x100000xf32, #tpu.memory_space<hbm>> -> memref<1x1x25088xf32, #tpu.memory_space<hbm>>
      %dma_wait3A_159 = tpu.memref_squeeze %dma_wait3A_158 : memref<1x1x25088xf32, #tpu.memory_space<hbm>> -> memref<25088xf32, #tpu.memory_space<hbm>>
      tpu.wait_dma2 semaphore(%arg11 : memref<!tpu.dma_semaphore, #tpu.memory_space<semaphore_mem>>) src(%dma_wait3A_159 : memref<25088xf32, #tpu.memory_space<hbm>>) dst(%dma_wait3A_156 : memref<25088xf32, #tpu.memory_space<vmem>>)
      %scan3A_160 = arith.constant 0 : i32
      %scan3A_161 = arith.constant 0 : i32
      %scan3A_162 = arith.constant 16 : i32
      %scan3A_163 = arith.addi %scan3A_161, %scan3A_162 : i32
      %scan3A_164 = arith.constant 1 : i32
      scf.for %scan3A_249 = %scan3A_161 to %scan3A_163 step %scan3A_164  : i32 {
        %mul3A_250 = arith.constant 256 : i32
        %mul3A_251 = arith.muli %scan3A_249, %mul3A_250 : i32
        %add3A_252 = arith.constant 0 : i32
        %add3A_253 = arith.addi %mul3A_251, %add3A_252 : i32
        %get3A = arith.index_cast %add3A_253 : i32 to index
        %get3A_254 = tpu.vector_load %arg9[%get3A] {strides = array<i32>} : memref<4096xf32, #tpu.memory_space<vmem>>, vector<16xf32>,
        %convert_element_type3A = arith.fptosi %get3A_254 : vector<16xf32> to vector<16xi32>
        %min3A_255 = arith.constant 50175 : i32
        %min3A_256 = vector.broadcast %min3A_255 : i32 to vector<16xi32>
        %min3A_257 = arith.minsi %convert_element_type3A, %min3A_256 : vector<16xi32>
        %gather3A = tpu.vector_load_idx %arg6[%min3A_257] : memref<50176xf32, #tpu.memory_space<vmem>>[vector<16xi32>], vector<16xf32>,
        %swap3A = arith.index_cast %add3A_253 : i32 to index
        %swap3A_258 = tpu.vector_load %arg10[%swap3A] {strides = array<i32>} : memref<4096xf32, #tpu.memory_space<vmem>>, vector<16xf32>,
        tpu.vector_store %arg10[%swap3A], %gather3A {strides = array<i32>} : memref<4096xf32, #tpu.memory_space<vmem>>, vector<16xf32>,
        %mul3A_259 = arith.constant 256 : i32
        %mul3A_260 = arith.muli %scan3A_249, %mul3A_259 : i32
        %add3A_261 = arith.constant 16 : i32
        %add3A_262 = arith.addi %mul3A_260, %add3A_261 : i32
        %get3A_263 = arith.index_cast %add3A_262 : i32 to index
        %get3A_264 = tpu.vector_load %arg9[%get3A_263] {strides = array<i32>} : memref<4096xf32, #tpu.memory_space<vmem>>, vector<16xf32>,
        %convert_element_type3A_265 = arith.fptosi %get3A_264 : vector<16xf32> to vector<16xi32>
        %min3A_266 = arith.constant 50175 : i32
        %min3A_267 = vector.broadcast %min3A_266 : i32 to vector<16xi32>
        %min3A_268 = arith.minsi %convert_element_type3A_265, %min3A_267 : vector<16xi32>
        %gather3A_269 = tpu.vector_load_idx %arg6[%min3A_268] : memref<50176xf32, #tpu.memory_space<vmem>>[vector<16xi32>], vector<16xf32>,
        %swap3A_270 = arith.index_cast %add3A_262 : i32 to index
        %swap3A_271 = tpu.vector_load %arg10[%swap3A_270] {strides = array<i32>} : memref<4096xf32, #tpu.memory_space<vmem>>, vector<16xf32>,
        tpu.vector_store %arg10[%swap3A_270], %gather3A_269 {strides = array<i32>} : memref<4096xf32, #tpu.memory_space<vmem>>, vector<16xf32>,
        %mul3A_272 = arith.constant 256 : i32
        %mul3A_273 = arith.muli %scan3A_249, %mul3A_272 : i32
        %add3A_274 = arith.constant 32 : i32
        %add3A_275 = arith.addi %mul3A_273, %add3A_274 : i32
        %get3A_276 = arith.index_cast %add3A_275 : i32 to index
        %get3A_277 = tpu.vector_load %arg9[%get3A_276] {strides = array<i32>} : memref<4096xf32, #tpu.memory_space<vmem>>, vector<16xf32>,
        %convert_element_type3A_278 = arith.fptosi %get3A_277 : vector<16xf32> to vector<16xi32>
        %min3A_279 = arith.constant 50175 : i32
        %min3A_280 = vector.broadcast %min3A_279 : i32 to vector<16xi32>
        %min3A_281 = arith.minsi %convert_element_type3A_278, %min3A_280 : vector<16xi32>
        %gather3A_282 = tpu.vector_load_idx %arg6[%min3A_281] : memref<50176xf32, #tpu.memory_space<vmem>>[vector<16xi32>], vector<16xf32>,
        %swap3A_283 = arith.index_cast %add3A_275 : i32 to index
        %swap3A_284 = tpu.vector_load %arg10[%swap3A_283] {strides = array<i32>} : memref<4096xf32, #tpu.memory_space<vmem>>, vector<16xf32>,
        tpu.vector_store %arg10[%swap3A_283], %gather3A_282 {strides = array<i32>} : memref<4096xf32, #tpu.memory_space<vmem>>, vector<16xf32>,
        %mul3A_285 = arith.constant 256 : i32
        %mul3A_286 = arith.muli %scan3A_249, %mul3A_285 : i32
        %add3A_287 = arith.constant 48 : i32
        %add3A_288 = arith.addi %mul3A_286, %add3A_287 : i32
        %get3A_289 = arith.index_cast %add3A_288 : i32 to index
        %get3A_290 = tpu.vector_load %arg9[%get3A_289] {strides = array<i32>} : memref<4096xf32, #tpu.memory_space<vmem>>, vector<16xf32>,
        %convert_element_type3A_291 = arith.fptosi %get3A_290 : vector<16xf32> to vector<16xi32>
        %min3A_292 = arith.constant 50175 : i32
        %min3A_293 = vector.broadcast %min3A_292 : i32 to vector<16xi32>
        %min3A_294 = arith.minsi %convert_element_type3A_291, %min3A_293 : vector<16xi32>
        %gather3A_295 = tpu.vector_load_idx %arg6[%min3A_294] : memref<50176xf32, #tpu.memory_space<vmem>>[vector<16xi32>], vector<16xf32>,
        %swap3A_296 = arith.index_cast %add3A_288 : i32 to index
        %swap3A_297 = tpu.vector_load %arg10[%swap3A_296] {strides = array<i32>} : memref<4096xf32, #tpu.memory_space<vmem>>, vector<16xf32>,
        tpu.vector_store %arg10[%swap3A_296], %gather3A_295 {strides = array<i32>} : memref<4096xf32, #tpu.memory_space<vmem>>, vector<16xf32>,
        %mul3A_298 = arith.constant 256 : i32
        %mul3A_299 = arith.muli %scan3A_249, %mul3A_298 : i32
        %add3A_300 = arith.constant 64 : i32
        %add3A_301 = arith.addi %mul3A_299, %add3A_300 : i32
        %get3A_302 = arith.index_cast %add3A_301 : i32 to index
        %get3A_303 = tpu.vector_load %arg9[%get3A_302] {strides = array<i32>} : memref<4096xf32, #tpu.memory_space<vmem>>, vector<16xf32>,
        %convert_element_type3A_304 = arith.fptosi %get3A_303 : vector<16xf32> to vector<16xi32>
        %min3A_305 = arith.constant 50175 : i32
        %min3A_306 = vector.broadcast %min3A_305 : i32 to vector<16xi32>
        %min3A_307 = arith.minsi %convert_element_type3A_304, %min3A_306 : vector<16xi32>
        %gather3A_308 = tpu.vector_load_idx %arg6[%min3A_307] : memref<50176xf32, #tpu.memory_space<vmem>>[vector<16xi32>], vector<16xf32>,
        %swap3A_309 = arith.index_cast %add3A_301 : i32 to index
        %swap3A_310 = tpu.vector_load %arg10[%swap3A_309] {strides = array<i32>} : memref<4096xf32, #tpu.memory_space<vmem>>, vector<16xf32>,
        tpu.vector_store %arg10[%swap3A_309], %gather3A_308 {strides = array<i32>} : memref<4096xf32, #tpu.memory_space<vmem>>, vector<16xf32>,
        %mul3A_311 = arith.constant 256 : i32
        %mul3A_312 = arith.muli %scan3A_249, %mul3A_311 : i32
        %add3A_313 = arith.constant 80 : i32
        %add3A_314 = arith.addi %mul3A_312, %add3A_313 : i32
        %get3A_315 = arith.index_cast %add3A_314 : i32 to index
        %get3A_316 = tpu.vector_load %arg9[%get3A_315] {strides = array<i32>} : memref<4096xf32, #tpu.memory_space<vmem>>, vector<16xf32>,
        %convert_element_type3A_317 = arith.fptosi %get3A_316 : vector<16xf32> to vector<16xi32>
        %min3A_318 = arith.constant 50175 : i32
        %min3A_319 = vector.broadcast %min3A_318 : i32 to vector<16xi32>
        %min3A_320 = arith.minsi %convert_element_type3A_317, %min3A_319 : vector<16xi32>
        %gather3A_321 = tpu.vector_load_idx %arg6[%min3A_320] : memref<50176xf32, #tpu.memory_space<vmem>>[vector<16xi32>], vector<16xf32>,
        %swap3A_322 = arith.index_cast %add3A_314 : i32 to index
        %swap3A_323 = tpu.vector_load %arg10[%swap3A_322] {strides = array<i32>} : memref<4096xf32, #tpu.memory_space<vmem>>, vector<16xf32>,
        tpu.vector_store %arg10[%swap3A_322], %gather3A_321 {strides = array<i32>} : memref<4096xf32, #tpu.memory_space<vmem>>, vector<16xf32>,
        %mul3A_324 = arith.constant 256 : i32
        %mul3A_325 = arith.muli %scan3A_249, %mul3A_324 : i32
        %add3A_326 = arith.constant 96 : i32
        %add3A_327 = arith.addi %mul3A_325, %add3A_326 : i32
        %get3A_328 = arith.index_cast %add3A_327 : i32 to index
        %get3A_329 = tpu.vector_load %arg9[%get3A_328] {strides = array<i32>} : memref<4096xf32, #tpu.memory_space<vmem>>, vector<16xf32>,
        %convert_element_type3A_330 = arith.fptosi %get3A_329 : vector<16xf32> to vector<16xi32>
        %min3A_331 = arith.constant 50175 : i32
        %min3A_332 = vector.broadcast %min3A_331 : i32 to vector<16xi32>
        %min3A_333 = arith.minsi %convert_element_type3A_330, %min3A_332 : vector<16xi32>
        %gather3A_334 = tpu.vector_load_idx %arg6[%min3A_333] : memref<50176xf32, #tpu.memory_space<vmem>>[vector<16xi32>], vector<16xf32>,
        %swap3A_335 = arith.index_cast %add3A_327 : i32 to index
        %swap3A_336 = tpu.vector_load %arg10[%swap3A_335] {strides = array<i32>} : memref<4096xf32, #tpu.memory_space<vmem>>, vector<16xf32>,
        tpu.vector_store %arg10[%swap3A_335], %gather3A_334 {strides = array<i32>} : memref<4096xf32, #tpu.memory_space<vmem>>, vector<16xf32>,
        %mul3A_337 = arith.constant 256 : i32
        %mul3A_338 = arith.muli %scan3A_249, %mul3A_337 : i32
        %add3A_339 = arith.constant 112 : i32
        %add3A_340 = arith.addi %mul3A_338, %add3A_339 : i32
        %get3A_341 = arith.index_cast %add3A_340 : i32 to index
        %get3A_342 = tpu.vector_load %arg9[%get3A_341] {strides = array<i32>} : memref<4096xf32, #tpu.memory_space<vmem>>, vector<16xf32>,
        %convert_element_type3A_343 = arith.fptosi %get3A_342 : vector<16xf32> to vector<16xi32>
        %min3A_344 = arith.constant 50175 : i32
        %min3A_345 = vector.broadcast %min3A_344 : i32 to vector<16xi32>
        %min3A_346 = arith.minsi %convert_element_type3A_343, %min3A_345 : vector<16xi32>
        %gather3A_347 = tpu.vector_load_idx %arg6[%min3A_346] : memref<50176xf32, #tpu.memory_space<vmem>>[vector<16xi32>], vector<16xf32>,
        %swap3A_348 = arith.index_cast %add3A_340 : i32 to index
        %swap3A_349 = tpu.vector_load %arg10[%swap3A_348] {strides = array<i32>} : memref<4096xf32, #tpu.memory_space<vmem>>, vector<16xf32>,
        tpu.vector_store %arg10[%swap3A_348], %gather3A_347 {strides = array<i32>} : memref<4096xf32, #tpu.memory_space<vmem>>, vector<16xf32>,
        %mul3A_350 = arith.constant 256 : i32
        %mul3A_351 = arith.muli %scan3A_249, %mul3A_350 : i32
        %add3A_352 = arith.constant 128 : i32
        %add3A_353 = arith.addi %mul3A_351, %add3A_352 : i32
        %get3A_354 = arith.index_cast %add3A_353 : i32 to index
        %get3A_355 = tpu.vector_load %arg9[%get3A_354] {strides = array<i32>} : memref<4096xf32, #tpu.memory_space<vmem>>, vector<16xf32>,
        %convert_element_type3A_356 = arith.fptosi %get3A_355 : vector<16xf32> to vector<16xi32>
        %min3A_357 = arith.constant 50175 : i32
        %min3A_358 = vector.broadcast %min3A_357 : i32 to vector<16xi32>
        %min3A_359 = arith.minsi %convert_element_type3A_356, %min3A_358 : vector<16xi32>
        %gather3A_360 = tpu.vector_load_idx %arg6[%min3A_359] : memref<50176xf32, #tpu.memory_space<vmem>>[vector<16xi32>], vector<16xf32>,
        %swap3A_361 = arith.index_cast %add3A_353 : i32 to index
        %swap3A_362 = tpu.vector_load %arg10[%swap3A_361] {strides = array<i32>} : memref<4096xf32, #tpu.memory_space<vmem>>, vector<16xf32>,
        tpu.vector_store %arg10[%swap3A_361], %gather3A_360 {strides = array<i32>} : memref<4096xf32, #tpu.memory_space<vmem>>, vector<16xf32>,
        %mul3A_363 = arith.constant 256 : i32
        %mul3A_364 = arith.muli %scan3A_249, %mul3A_363 : i32
        %add3A_365 = arith.constant 144 : i32
        %add3A_366 = arith.addi %mul3A_364, %add3A_365 : i32
        %get3A_367 = arith.index_cast %add3A_366 : i32 to index
        %get3A_368 = tpu.vector_load %arg9[%get3A_367] {strides = array<i32>} : memref<4096xf32, #tpu.memory_space<vmem>>, vector<16xf32>,
        %convert_element_type3A_369 = arith.fptosi %get3A_368 : vector<16xf32> to vector<16xi32>
        %min3A_370 = arith.constant 50175 : i32
        %min3A_371 = vector.broadcast %min3A_370 : i32 to vector<16xi32>
        %min3A_372 = arith.minsi %convert_element_type3A_369, %min3A_371 : vector<16xi32>
        %gather3A_373 = tpu.vector_load_idx %arg6[%min3A_372] : memref<50176xf32, #tpu.memory_space<vmem>>[vector<16xi32>], vector<16xf32>,
        %swap3A_374 = arith.index_cast %add3A_366 : i32 to index
        %swap3A_375 = tpu.vector_load %arg10[%swap3A_374] {strides = array<i32>} : memref<4096xf32, #tpu.memory_space<vmem>>, vector<16xf32>,
        tpu.vector_store %arg10[%swap3A_374], %gather3A_373 {strides = array<i32>} : memref<4096xf32, #tpu.memory_space<vmem>>, vector<16xf32>,
        %mul3A_376 = arith.constant 256 : i32
        %mul3A_377 = arith.muli %scan3A_249, %mul3A_376 : i32
        %add3A_378 = arith.constant 160 : i32
        %add3A_379 = arith.addi %mul3A_377, %add3A_378 : i32
        %get3A_380 = arith.index_cast %add3A_379 : i32 to index
        %get3A_381 = tpu.vector_load %arg9[%get3A_380] {strides = array<i32>} : memref<4096xf32, #tpu.memory_space<vmem>>, vector<16xf32>,
        %convert_element_type3A_382 = arith.fptosi %get3A_381 : vector<16xf32> to vector<16xi32>
        %min3A_383 = arith.constant 50175 : i32
        %min3A_384 = vector.broadcast %min3A_383 : i32 to vector<16xi32>
        %min3A_385 = arith.minsi %convert_element_type3A_382, %min3A_384 : vector<16xi32>
        %gather3A_386 = tpu.vector_load_idx %arg6[%min3A_385] : memref<50176xf32, #tpu.memory_space<vmem>>[vector<16xi32>], vector<16xf32>,
        %swap3A_387 = arith.index_cast %add3A_379 : i32 to index
        %swap3A_388 = tpu.vector_load %arg10[%swap3A_387] {strides = array<i32>} : memref<4096xf32, #tpu.memory_space<vmem>>, vector<16xf32>,
        tpu.vector_store %arg10[%swap3A_387], %gather3A_386 {strides = array<i32>} : memref<4096xf32, #tpu.memory_space<vmem>>, vector<16xf32>,
        %mul3A_389 = arith.constant 256 : i32
        %mul3A_390 = arith.muli %scan3A_249, %mul3A_389 : i32
        %add3A_391 = arith.constant 176 : i32
        %add3A_392 = arith.addi %mul3A_390, %add3A_391 : i32
        %get3A_393 = arith.index_cast %add3A_392 : i32 to index
        %get3A_394 = tpu.vector_load %arg9[%get3A_393] {strides = array<i32>} : memref<4096xf32, #tpu.memory_space<vmem>>, vector<16xf32>,
        %convert_element_type3A_395 = arith.fptosi %get3A_394 : vector<16xf32> to vector<16xi32>
        %min3A_396 = arith.constant 50175 : i32
        %min3A_397 = vector.broadcast %min3A_396 : i32 to vector<16xi32>
        %min3A_398 = arith.minsi %convert_element_type3A_395, %min3A_397 : vector<16xi32>
        %gather3A_399 = tpu.vector_load_idx %arg6[%min3A_398] : memref<50176xf32, #tpu.memory_space<vmem>>[vector<16xi32>], vector<16xf32>,
        %swap3A_400 = arith.index_cast %add3A_392 : i32 to index
        %swap3A_401 = tpu.vector_load %arg10[%swap3A_400] {strides = array<i32>} : memref<4096xf32, #tpu.memory_space<vmem>>, vector<16xf32>,
        tpu.vector_store %arg10[%swap3A_400], %gather3A_399 {strides = array<i32>} : memref<4096xf32, #tpu.memory_space<vmem>>, vector<16xf32>,
        %mul3A_402 = arith.constant 256 : i32
        %mul3A_403 = arith.muli %scan3A_249, %mul3A_402 : i32
        %add3A_404 = arith.constant 192 : i32
        %add3A_405 = arith.addi %mul3A_403, %add3A_404 : i32
        %get3A_406 = arith.index_cast %add3A_405 : i32 to index
        %get3A_407 = tpu.vector_load %arg9[%get3A_406] {strides = array<i32>} : memref<4096xf32, #tpu.memory_space<vmem>>, vector<16xf32>,
        %convert_element_type3A_408 = arith.fptosi %get3A_407 : vector<16xf32> to vector<16xi32>
        %min3A_409 = arith.constant 50175 : i32
        %min3A_410 = vector.broadcast %min3A_409 : i32 to vector<16xi32>
        %min3A_411 = arith.minsi %convert_element_type3A_408, %min3A_410 : vector<16xi32>
        %gather3A_412 = tpu.vector_load_idx %arg6[%min3A_411] : memref<50176xf32, #tpu.memory_space<vmem>>[vector<16xi32>], vector<16xf32>,
        %swap3A_413 = arith.index_cast %add3A_405 : i32 to index
        %swap3A_414 = tpu.vector_load %arg10[%swap3A_413] {strides = array<i32>} : memref<4096xf32, #tpu.memory_space<vmem>>, vector<16xf32>,
        tpu.vector_store %arg10[%swap3A_413], %gather3A_412 {strides = array<i32>} : memref<4096xf32, #tpu.memory_space<vmem>>, vector<16xf32>,
        %mul3A_415 = arith.constant 256 : i32
        %mul3A_416 = arith.muli %scan3A_249, %mul3A_415 : i32
        %add3A_417 = arith.constant 208 : i32
        %add3A_418 = arith.addi %mul3A_416, %add3A_417 : i32
        %get3A_419 = arith.index_cast %add3A_418 : i32 to index
        %get3A_420 = tpu.vector_load %arg9[%get3A_419] {strides = array<i32>} : memref<4096xf32, #tpu.memory_space<vmem>>, vector<16xf32>,
        %convert_element_type3A_421 = arith.fptosi %get3A_420 : vector<16xf32> to vector<16xi32>
        %min3A_422 = arith.constant 50175 : i32
        %min3A_423 = vector.broadcast %min3A_422 : i32 to vector<16xi32>
        %min3A_424 = arith.minsi %convert_element_type3A_421, %min3A_423 : vector<16xi32>
        %gather3A_425 = tpu.vector_load_idx %arg6[%min3A_424] : memref<50176xf32, #tpu.memory_space<vmem>>[vector<16xi32>], vector<16xf32>,
        %swap3A_426 = arith.index_cast %add3A_418 : i32 to index
        %swap3A_427 = tpu.vector_load %arg10[%swap3A_426] {strides = array<i32>} : memref<4096xf32, #tpu.memory_space<vmem>>, vector<16xf32>,
        tpu.vector_store %arg10[%swap3A_426], %gather3A_425 {strides = array<i32>} : memref<4096xf32, #tpu.memory_space<vmem>>, vector<16xf32>,
        %mul3A_428 = arith.constant 256 : i32
        %mul3A_429 = arith.muli %scan3A_249, %mul3A_428 : i32
        %add3A_430 = arith.constant 224 : i32
        %add3A_431 = arith.addi %mul3A_429, %add3A_430 : i32
        %get3A_432 = arith.index_cast %add3A_431 : i32 to index
        %get3A_433 = tpu.vector_load %arg9[%get3A_432] {strides = array<i32>} : memref<4096xf32, #tpu.memory_space<vmem>>, vector<16xf32>,
        %convert_element_type3A_434 = arith.fptosi %get3A_433 : vector<16xf32> to vector<16xi32>
        %min3A_435 = arith.constant 50175 : i32
        %min3A_436 = vector.broadcast %min3A_435 : i32 to vector<16xi32>
        %min3A_437 = arith.minsi %convert_element_type3A_434, %min3A_436 : vector<16xi32>
        %gather3A_438 = tpu.vector_load_idx %arg6[%min3A_437] : memref<50176xf32, #tpu.memory_space<vmem>>[vector<16xi32>], vector<16xf32>,
        %swap3A_439 = arith.index_cast %add3A_431 : i32 to index
        %swap3A_440 = tpu.vector_load %arg10[%swap3A_439] {strides = array<i32>} : memref<4096xf32, #tpu.memory_space<vmem>>, vector<16xf32>,
        tpu.vector_store %arg10[%swap3A_439], %gather3A_438 {strides = array<i32>} : memref<4096xf32, #tpu.memory_space<vmem>>, vector<16xf32>,
        %mul3A_441 = arith.constant 256 : i32
        %mul3A_442 = arith.muli %scan3A_249, %mul3A_441 : i32
        %add3A_443 = arith.constant 240 : i32
        %add3A_444 = arith.addi %mul3A_442, %add3A_443 : i32
        %get3A_445 = arith.index_cast %add3A_444 : i32 to index
        %get3A_446 = tpu.vector_load %arg9[%get3A_445] {strides = array<i32>} : memref<4096xf32, #tpu.memory_space<vmem>>, vector<16xf32>,
        %convert_element_type3A_447 = arith.fptosi %get3A_446 : vector<16xf32> to vector<16xi32>
        %min3A_448 = arith.constant 50175 : i32
        %min3A_449 = vector.broadcast %min3A_448 : i32 to vector<16xi32>
        %min3A_450 = arith.minsi %convert_element_type3A_447, %min3A_449 : vector<16xi32>
        %gather3A_451 = tpu.vector_load_idx %arg6[%min3A_450] : memref<50176xf32, #tpu.memory_space<vmem>>[vector<16xi32>], vector<16xf32>,
        %swap3A_452 = arith.index_cast %add3A_444 : i32 to index
        %swap3A_453 = tpu.vector_load %arg10[%swap3A_452] {strides = array<i32>} : memref<4096xf32, #tpu.memory_space<vmem>>, vector<16xf32>,
        tpu.vector_store %arg10[%swap3A_452], %gather3A_451 {strides = array<i32>} : memref<4096xf32, #tpu.memory_space<vmem>>, vector<16xf32>,
      }
      %scan3A_165 = arith.constant 16 : i32
      %dma_start3A_166 = arith.constant 0 : i32
      %dma_start3A_167 = tpu.memref_slice %arg6[%dma_start3A_166] : memref<50176xf32, #tpu.memory_space<vmem>> -> memref<25088xf32, #tpu.memory_space<vmem>>
      %dma_start3A_168 = arith.constant 0 : i32
      %dma_start3A_169 = tpu.memref_slice %arg2[%min3A_123, %add3A, %dma_start3A_168] : memref<26x32x100000xf32, #tpu.memory_space<hbm>> -> memref<1x1x25088xf32, #tpu.memory_space<hbm>>
      %dma_start3A_170 = tpu.memref_squeeze %dma_start3A_169 : memref<1x1x25088xf32, #tpu.memory_space<hbm>> -> memref<25088xf32, #tpu.memory_space<hbm>>
      %dma_start3A_171 = arith.constant 0 : i32
      %dma_start3A_172 = tpu.memref_slice %arg6[%dma_start3A_171] : memref<50176xf32, #tpu.memory_space<vmem>> -> memref<25088xf32, #tpu.memory_space<vmem>>
      %dma_start3A_173 = arith.constant 0 : i32
      %dma_start3A_174 = tpu.memref_slice %arg2[%min3A_123, %add3A, %dma_start3A_173] : memref<26x32x100000xf32, #tpu.memory_space<hbm>> -> memref<1x1x25088xf32, #tpu.memory_space<hbm>>
      %dma_start3A_175 = tpu.memref_squeeze %dma_start3A_174 : memref<1x1x25088xf32, #tpu.memory_space<hbm>> -> memref<25088xf32, #tpu.memory_space<hbm>>
      tpu.enqueue_dma source(%dma_start3A_175 : memref<25088xf32, #tpu.memory_space<hbm>>) target(%dma_start3A_172 : memref<25088xf32, #tpu.memory_space<vmem>>) target_semaphore(%arg11 : memref<!tpu.dma_semaphore, #tpu.memory_space<semaphore_mem>>)
      %dma_start3A_176 = arith.constant 25088 : i32
      %dma_start3A_177 = tpu.memref_slice %arg6[%dma_start3A_176] : memref<50176xf32, #tpu.memory_space<vmem>> -> memref<25088xf32, #tpu.memory_space<vmem>>
      %dma_start3A_178 = arith.constant 25088 : i32
      %dma_start3A_179 = tpu.memref_slice %arg2[%min3A_123, %add3A, %dma_start3A_178] : memref<26x32x100000xf32, #tpu.memory_space<hbm>> -> memref<1x1x25088xf32, #tpu.memory_space<hbm>>
      %dma_start3A_180 = tpu.memref_squeeze %dma_start3A_179 : memref<1x1x25088xf32, #tpu.memory_space<hbm>> -> memref<25088xf32, #tpu.memory_space<hbm>>
      %dma_start3A_181 = arith.constant 25088 : i32
      %dma_start3A_182 = tpu.memref_slice %arg6[%dma_start3A_181] : memref<50176xf32, #tpu.memory_space<vmem>> -> memref<25088xf32, #tpu.memory_space<vmem>>
      %dma_start3A_183 = arith.constant 25088 : i32
      %dma_start3A_184 = tpu.memref_slice %arg2[%min3A_123, %add3A, %dma_start3A_183] : memref<26x32x100000xf32, #tpu.memory_space<hbm>> -> memref<1x1x25088xf32, #tpu.memory_space<hbm>>
      %dma_start3A_185 = tpu.memref_squeeze %dma_start3A_184 : memref<1x1x25088xf32, #tpu.memory_space<hbm>> -> memref<25088xf32, #tpu.memory_space<hbm>>
      tpu.enqueue_dma source(%dma_start3A_185 : memref<25088xf32, #tpu.memory_space<hbm>>) target(%dma_start3A_182 : memref<25088xf32, #tpu.memory_space<vmem>>) target_semaphore(%arg11 : memref<!tpu.dma_semaphore, #tpu.memory_space<semaphore_mem>>)
      %dma_wait3A_186 = arith.constant 0 : i32
      %dma_wait3A_187 = arith.constant 0 : i32
      %dma_wait3A_188 = tpu.memref_slice %arg7[%dma_wait3A_187] : memref<49792xf32, #tpu.memory_space<vmem>> -> memref<25088xf32, #tpu.memory_space<vmem>>
      %dma_wait3A_189 = arith.constant 50176 : i32
      %dma_wait3A_190 = tpu.memref_slice %arg2[%dma_wait3A_186, %add3A, %dma_wait3A_189] : memref<26x32x100000xf32, #tpu.memory_space<hbm>> -> memref<1x1x25088xf32, #tpu.memory_space<hbm>>
      %dma_wait3A_191 = tpu.memref_squeeze %dma_wait3A_190 : memref<1x1x25088xf32, #tpu.memory_space<hbm>> -> memref<25088xf32, #tpu.memory_space<hbm>>
      %dma_wait3A_192 = arith.constant 0 : i32
      %dma_wait3A_193 = tpu.memref_slice %arg7[%dma_wait3A_192] : memref<49792xf32, #tpu.memory_space<vmem>> -> memref<25088xf32, #tpu.memory_space<vmem>>
      %dma_wait3A_194 = arith.constant 50176 : i32
      %dma_wait3A_195 = tpu.memref_slice %arg2[%dma_wait3A_186, %add3A, %dma_wait3A_194] : memref<26x32x100000xf32, #tpu.memory_space<hbm>> -> memref<1x1x25088xf32, #tpu.memory_space<hbm>>
      %dma_wait3A_196 = tpu.memref_squeeze %dma_wait3A_195 : memref<1x1x25088xf32, #tpu.memory_space<hbm>> -> memref<25088xf32, #tpu.memory_space<hbm>>
      tpu.wait_dma2 semaphore(%arg12 : memref<!tpu.dma_semaphore, #tpu.memory_space<semaphore_mem>>) src(%dma_wait3A_196 : memref<25088xf32, #tpu.memory_space<hbm>>) dst(%dma_wait3A_193 : memref<25088xf32, #tpu.memory_space<vmem>>)
      %dma_wait3A_197 = arith.constant 0 : i32
      %dma_wait3A_198 = arith.constant 25088 : i32
      %dma_wait3A_199 = tpu.memref_slice %arg7[%dma_wait3A_198] : memref<49792xf32, #tpu.memory_space<vmem>> -> memref<24704xf32, #tpu.memory_space<vmem>>
      %dma_wait3A_200 = arith.constant 75264 : i32
      %dma_wait3A_201 = tpu.memref_slice %arg2[%dma_wait3A_197, %add3A, %dma_wait3A_200] : memref<26x32x100000xf32, #tpu.memory_space<hbm>> -> memref<1x1x24704xf32, #tpu.memory_space<hbm>>
      %dma_wait3A_202 = tpu.memref_squeeze %dma_wait3A_201 : memref<1x1x24704xf32, #tpu.memory_space<hbm>> -> memref<24704xf32, #tpu.memory_space<hbm>>
      %dma_wait3A_203 = arith.constant 25088 : i32
      %dma_wait3A_204 = tpu.memref_slice %arg7[%dma_wait3A_203] : memref<49792xf32, #tpu.memory_space<vmem>> -> memref<24704xf32, #tpu.memory_space<vmem>>
      %dma_wait3A_205 = arith.constant 75264 : i32
      %dma_wait3A_206 = tpu.memref_slice %arg2[%dma_wait3A_197, %add3A, %dma_wait3A_205] : memref<26x32x100000xf32, #tpu.memory_space<hbm>> -> memref<1x1x24704xf32, #tpu.memory_space<hbm>>
      %dma_wait3A_207 = tpu.memref_squeeze %dma_wait3A_206 : memref<1x1x24704xf32, #tpu.memory_space<hbm>> -> memref<24704xf32, #tpu.memory_space<hbm>>
      tpu.wait_dma2 semaphore(%arg12 : memref<!tpu.dma_semaphore, #tpu.memory_space<semaphore_mem>>) src(%dma_wait3A_207 : memref<24704xf32, #tpu.memory_space<hbm>>) dst(%dma_wait3A_204 : memref<24704xf32, #tpu.memory_space<vmem>>)
      %scan3A_208 = arith.constant 0 : i32
      %scan3A_209 = arith.constant 0 : i32
      %scan3A_210 = arith.constant 16 : i32
      %scan3A_211 = arith.addi %scan3A_209, %scan3A_210 : i32
      %scan3A_212 = arith.constant 1 : i32
      scf.for %scan3A_249 = %scan3A_209 to %scan3A_211 step %scan3A_212  : i32 {
        %mul3A_250 = arith.constant 256 : i32
        %mul3A_251 = arith.muli %scan3A_249, %mul3A_250 : i32
        %add3A_252 = arith.constant 0 : i32
        %add3A_253 = arith.addi %mul3A_251, %add3A_252 : i32
        %get3A = arith.index_cast %add3A_253 : i32 to index
        %get3A_254 = tpu.vector_load %arg9[%get3A] {strides = array<i32>} : memref<4096xf32, #tpu.memory_space<vmem>>, vector<16xf32>,
        %convert_element_type3A = arith.fptosi %get3A_254 : vector<16xf32> to vector<16xi32>
        %sub3A = arith.constant 50176 : i32
        %sub3A_255 = vector.broadcast %sub3A : i32 to vector<16xi32>
        %sub3A_256 = arith.subi %convert_element_type3A, %sub3A_255 : vector<16xi32>
        %jit3A = arith.constant 0 : i32
        %jit3A_257 = arith.constant 49791 : i32
        %max3A = vector.broadcast %jit3A : i32 to vector<16xi32>
        %max3A_258 = arith.maxsi %max3A, %sub3A_256 : vector<16xi32>
        %min3A_259 = vector.broadcast %jit3A_257 : i32 to vector<16xi32>
        %min3A_260 = arith.minsi %min3A_259, %max3A_258 : vector<16xi32>
        %sub3A_261 = arith.constant 99968 : i32
        %sub3A_262 = vector.broadcast %sub3A_261 : i32 to vector<16xi32>
        %sub3A_263 = arith.subi %convert_element_type3A, %sub3A_262 : vector<16xi32>
        %jit3A_264 = arith.constant 0 : i32
        %jit3A_265 = arith.constant 31 : i32
        %max3A_266 = vector.broadcast %jit3A_264 : i32 to vector<16xi32>
        %max3A_267 = arith.maxsi %max3A_266, %sub3A_263 : vector<16xi32>
        %min3A_268 = vector.broadcast %jit3A_265 : i32 to vector<16xi32>
        %min3A_269 = arith.minsi %min3A_268, %max3A_267 : vector<16xi32>
        %gather3A = tpu.vector_load_idx %arg7[%min3A_260] : memref<49792xf32, #tpu.memory_space<vmem>>[vector<16xi32>], vector<16xf32>,
        %gather3A_270 = tpu.vector_load_idx %arg8[%min3A_269] : memref<32xf32, #tpu.memory_space<vmem>>[vector<16xi32>], vector<16xf32>,
        %get3A_271 = arith.index_cast %add3A_253 : i32 to index
        %get3A_272 = tpu.vector_load %arg10[%get3A_271] {strides = array<i32>} : memref<4096xf32, #tpu.memory_space<vmem>>, vector<16xf32>,
        %ge3A = arith.constant 50176 : i32
        %ge3A_273 = vector.broadcast %ge3A : i32 to vector<16xi32>
        %ge3A_274 = arith.cmpi sge, %convert_element_type3A, %ge3A_273 : vector<16xi32>
        %select_n3A = arith.select %ge3A_274, %gather3A, %get3A_272 : vector<16xi1>, vector<16xf32>
        %ge3A_275 = arith.constant 99968 : i32
        %ge3A_276 = vector.broadcast %ge3A_275 : i32 to vector<16xi32>
        %ge3A_277 = arith.cmpi sge, %convert_element_type3A, %ge3A_276 : vector<16xi32>
        %select_n3A_278 = arith.select %ge3A_277, %gather3A_270, %select_n3A : vector<16xi1>, vector<16xf32>
        %swap3A = arith.index_cast %add3A_253 : i32 to index
        %swap3A_279 = tpu.vector_load %arg10[%swap3A] {strides = array<i32>} : memref<4096xf32, #tpu.memory_space<vmem>>, vector<16xf32>,
        tpu.vector_store %arg10[%swap3A], %select_n3A_278 {strides = array<i32>} : memref<4096xf32, #tpu.memory_space<vmem>>, vector<16xf32>,
        %mul3A_280 = arith.constant 256 : i32
        %mul3A_281 = arith.muli %scan3A_249, %mul3A_280 : i32
        %add3A_282 = arith.constant 16 : i32
        %add3A_283 = arith.addi %mul3A_281, %add3A_282 : i32
        %get3A_284 = arith.index_cast %add3A_283 : i32 to index
        %get3A_285 = tpu.vector_load %arg9[%get3A_284] {strides = array<i32>} : memref<4096xf32, #tpu.memory_space<vmem>>, vector<16xf32>,
        %convert_element_type3A_286 = arith.fptosi %get3A_285 : vector<16xf32> to vector<16xi32>
        %sub3A_287 = arith.constant 50176 : i32
        %sub3A_288 = vector.broadcast %sub3A_287 : i32 to vector<16xi32>
        %sub3A_289 = arith.subi %convert_element_type3A_286, %sub3A_288 : vector<16xi32>
        %jit3A_290 = arith.constant 0 : i32
        %jit3A_291 = arith.constant 49791 : i32
        %max3A_292 = vector.broadcast %jit3A_290 : i32 to vector<16xi32>
        %max3A_293 = arith.maxsi %max3A_292, %sub3A_289 : vector<16xi32>
        %min3A_294 = vector.broadcast %jit3A_291 : i32 to vector<16xi32>
        %min3A_295 = arith.minsi %min3A_294, %max3A_293 : vector<16xi32>
        %sub3A_296 = arith.constant 99968 : i32
        %sub3A_297 = vector.broadcast %sub3A_296 : i32 to vector<16xi32>
        %sub3A_298 = arith.subi %convert_element_type3A_286, %sub3A_297 : vector<16xi32>
        %jit3A_299 = arith.constant 0 : i32
        %jit3A_300 = arith.constant 31 : i32
        %max3A_301 = vector.broadcast %jit3A_299 : i32 to vector<16xi32>
        %max3A_302 = arith.maxsi %max3A_301, %sub3A_298 : vector<16xi32>
        %min3A_303 = vector.broadcast %jit3A_300 : i32 to vector<16xi32>
        %min3A_304 = arith.minsi %min3A_303, %max3A_302 : vector<16xi32>
        %gather3A_305 = tpu.vector_load_idx %arg7[%min3A_295] : memref<49792xf32, #tpu.memory_space<vmem>>[vector<16xi32>], vector<16xf32>,
        %gather3A_306 = tpu.vector_load_idx %arg8[%min3A_304] : memref<32xf32, #tpu.memory_space<vmem>>[vector<16xi32>], vector<16xf32>,
        %get3A_307 = arith.index_cast %add3A_283 : i32 to index
        %get3A_308 = tpu.vector_load %arg10[%get3A_307] {strides = array<i32>} : memref<4096xf32, #tpu.memory_space<vmem>>, vector<16xf32>,
        %ge3A_309 = arith.constant 50176 : i32
        %ge3A_310 = vector.broadcast %ge3A_309 : i32 to vector<16xi32>
        %ge3A_311 = arith.cmpi sge, %convert_element_type3A_286, %ge3A_310 : vector<16xi32>
        %select_n3A_312 = arith.select %ge3A_311, %gather3A_305, %get3A_308 : vector<16xi1>, vector<16xf32>
        %ge3A_313 = arith.constant 99968 : i32
        %ge3A_314 = vector.broadcast %ge3A_313 : i32 to vector<16xi32>
        %ge3A_315 = arith.cmpi sge, %convert_element_type3A_286, %ge3A_314 : vector<16xi32>
        %select_n3A_316 = arith.select %ge3A_315, %gather3A_306, %select_n3A_312 : vector<16xi1>, vector<16xf32>
        %swap3A_317 = arith.index_cast %add3A_283 : i32 to index
        %swap3A_318 = tpu.vector_load %arg10[%swap3A_317] {strides = array<i32>} : memref<4096xf32, #tpu.memory_space<vmem>>, vector<16xf32>,
        tpu.vector_store %arg10[%swap3A_317], %select_n3A_316 {strides = array<i32>} : memref<4096xf32, #tpu.memory_space<vmem>>, vector<16xf32>,
        %mul3A_319 = arith.constant 256 : i32
        %mul3A_320 = arith.muli %scan3A_249, %mul3A_319 : i32
        %add3A_321 = arith.constant 32 : i32
        %add3A_322 = arith.addi %mul3A_320, %add3A_321 : i32
        %get3A_323 = arith.index_cast %add3A_322 : i32 to index
        %get3A_324 = tpu.vector_load %arg9[%get3A_323] {strides = array<i32>} : memref<4096xf32, #tpu.memory_space<vmem>>, vector<16xf32>,
        %convert_element_type3A_325 = arith.fptosi %get3A_324 : vector<16xf32> to vector<16xi32>
        %sub3A_326 = arith.constant 50176 : i32
        %sub3A_327 = vector.broadcast %sub3A_326 : i32 to vector<16xi32>
        %sub3A_328 = arith.subi %convert_element_type3A_325, %sub3A_327 : vector<16xi32>
        %jit3A_329 = arith.constant 0 : i32
        %jit3A_330 = arith.constant 49791 : i32
        %max3A_331 = vector.broadcast %jit3A_329 : i32 to vector<16xi32>
        %max3A_332 = arith.maxsi %max3A_331, %sub3A_328 : vector<16xi32>
        %min3A_333 = vector.broadcast %jit3A_330 : i32 to vector<16xi32>
        %min3A_334 = arith.minsi %min3A_333, %max3A_332 : vector<16xi32>
        %sub3A_335 = arith.constant 99968 : i32
        %sub3A_336 = vector.broadcast %sub3A_335 : i32 to vector<16xi32>
        %sub3A_337 = arith.subi %convert_element_type3A_325, %sub3A_336 : vector<16xi32>
        %jit3A_338 = arith.constant 0 : i32
        %jit3A_339 = arith.constant 31 : i32
        %max3A_340 = vector.broadcast %jit3A_338 : i32 to vector<16xi32>
        %max3A_341 = arith.maxsi %max3A_340, %sub3A_337 : vector<16xi32>
        %min3A_342 = vector.broadcast %jit3A_339 : i32 to vector<16xi32>
        %min3A_343 = arith.minsi %min3A_342, %max3A_341 : vector<16xi32>
        %gather3A_344 = tpu.vector_load_idx %arg7[%min3A_334] : memref<49792xf32, #tpu.memory_space<vmem>>[vector<16xi32>], vector<16xf32>,
        %gather3A_345 = tpu.vector_load_idx %arg8[%min3A_343] : memref<32xf32, #tpu.memory_space<vmem>>[vector<16xi32>], vector<16xf32>,
        %get3A_346 = arith.index_cast %add3A_322 : i32 to index
        %get3A_347 = tpu.vector_load %arg10[%get3A_346] {strides = array<i32>} : memref<4096xf32, #tpu.memory_space<vmem>>, vector<16xf32>,
        %ge3A_348 = arith.constant 50176 : i32
        %ge3A_349 = vector.broadcast %ge3A_348 : i32 to vector<16xi32>
        %ge3A_350 = arith.cmpi sge, %convert_element_type3A_325, %ge3A_349 : vector<16xi32>
        %select_n3A_351 = arith.select %ge3A_350, %gather3A_344, %get3A_347 : vector<16xi1>, vector<16xf32>
        %ge3A_352 = arith.constant 99968 : i32
        %ge3A_353 = vector.broadcast %ge3A_352 : i32 to vector<16xi32>
        %ge3A_354 = arith.cmpi sge, %convert_element_type3A_325, %ge3A_353 : vector<16xi32>
        %select_n3A_355 = arith.select %ge3A_354, %gather3A_345, %select_n3A_351 : vector<16xi1>, vector<16xf32>
        %swap3A_356 = arith.index_cast %add3A_322 : i32 to index
        %swap3A_357 = tpu.vector_load %arg10[%swap3A_356] {strides = array<i32>} : memref<4096xf32, #tpu.memory_space<vmem>>, vector<16xf32>,
        tpu.vector_store %arg10[%swap3A_356], %select_n3A_355 {strides = array<i32>} : memref<4096xf32, #tpu.memory_space<vmem>>, vector<16xf32>,
        %mul3A_358 = arith.constant 256 : i32
        %mul3A_359 = arith.muli %scan3A_249, %mul3A_358 : i32
        %add3A_360 = arith.constant 48 : i32
        %add3A_361 = arith.addi %mul3A_359, %add3A_360 : i32
        %get3A_362 = arith.index_cast %add3A_361 : i32 to index
        %get3A_363 = tpu.vector_load %arg9[%get3A_362] {strides = array<i32>} : memref<4096xf32, #tpu.memory_space<vmem>>, vector<16xf32>,
        %convert_element_type3A_364 = arith.fptosi %get3A_363 : vector<16xf32> to vector<16xi32>
        %sub3A_365 = arith.constant 50176 : i32
        %sub3A_366 = vector.broadcast %sub3A_365 : i32 to vector<16xi32>
        %sub3A_367 = arith.subi %convert_element_type3A_364, %sub3A_366 : vector<16xi32>
        %jit3A_368 = arith.constant 0 : i32
        %jit3A_369 = arith.constant 49791 : i32
        %max3A_370 = vector.broadcast %jit3A_368 : i32 to vector<16xi32>
        %max3A_371 = arith.maxsi %max3A_370, %sub3A_367 : vector<16xi32>
        %min3A_372 = vector.broadcast %jit3A_369 : i32 to vector<16xi32>
        %min3A_373 = arith.minsi %min3A_372, %max3A_371 : vector<16xi32>
        %sub3A_374 = arith.constant 99968 : i32
        %sub3A_375 = vector.broadcast %sub3A_374 : i32 to vector<16xi32>
        %sub3A_376 = arith.subi %convert_element_type3A_364, %sub3A_375 : vector<16xi32>
        %jit3A_377 = arith.constant 0 : i32
        %jit3A_378 = arith.constant 31 : i32
        %max3A_379 = vector.broadcast %jit3A_377 : i32 to vector<16xi32>
        %max3A_380 = arith.maxsi %max3A_379, %sub3A_376 : vector<16xi32>
        %min3A_381 = vector.broadcast %jit3A_378 : i32 to vector<16xi32>
        %min3A_382 = arith.minsi %min3A_381, %max3A_380 : vector<16xi32>
        %gather3A_383 = tpu.vector_load_idx %arg7[%min3A_373] : memref<49792xf32, #tpu.memory_space<vmem>>[vector<16xi32>], vector<16xf32>,
        %gather3A_384 = tpu.vector_load_idx %arg8[%min3A_382] : memref<32xf32, #tpu.memory_space<vmem>>[vector<16xi32>], vector<16xf32>,
        %get3A_385 = arith.index_cast %add3A_361 : i32 to index
        %get3A_386 = tpu.vector_load %arg10[%get3A_385] {strides = array<i32>} : memref<4096xf32, #tpu.memory_space<vmem>>, vector<16xf32>,
        %ge3A_387 = arith.constant 50176 : i32
        %ge3A_388 = vector.broadcast %ge3A_387 : i32 to vector<16xi32>
        %ge3A_389 = arith.cmpi sge, %convert_element_type3A_364, %ge3A_388 : vector<16xi32>
        %select_n3A_390 = arith.select %ge3A_389, %gather3A_383, %get3A_386 : vector<16xi1>, vector<16xf32>
        %ge3A_391 = arith.constant 99968 : i32
        %ge3A_392 = vector.broadcast %ge3A_391 : i32 to vector<16xi32>
        %ge3A_393 = arith.cmpi sge, %convert_element_type3A_364, %ge3A_392 : vector<16xi32>
        %select_n3A_394 = arith.select %ge3A_393, %gather3A_384, %select_n3A_390 : vector<16xi1>, vector<16xf32>
        %swap3A_395 = arith.index_cast %add3A_361 : i32 to index
        %swap3A_396 = tpu.vector_load %arg10[%swap3A_395] {strides = array<i32>} : memref<4096xf32, #tpu.memory_space<vmem>>, vector<16xf32>,
        tpu.vector_store %arg10[%swap3A_395], %select_n3A_394 {strides = array<i32>} : memref<4096xf32, #tpu.memory_space<vmem>>, vector<16xf32>,
        %mul3A_397 = arith.constant 256 : i32
        %mul3A_398 = arith.muli %scan3A_249, %mul3A_397 : i32
        %add3A_399 = arith.constant 64 : i32
        %add3A_400 = arith.addi %mul3A_398, %add3A_399 : i32
        %get3A_401 = arith.index_cast %add3A_400 : i32 to index
        %get3A_402 = tpu.vector_load %arg9[%get3A_401] {strides = array<i32>} : memref<4096xf32, #tpu.memory_space<vmem>>, vector<16xf32>,
        %convert_element_type3A_403 = arith.fptosi %get3A_402 : vector<16xf32> to vector<16xi32>
        %sub3A_404 = arith.constant 50176 : i32
        %sub3A_405 = vector.broadcast %sub3A_404 : i32 to vector<16xi32>
        %sub3A_406 = arith.subi %convert_element_type3A_403, %sub3A_405 : vector<16xi32>
        %jit3A_407 = arith.constant 0 : i32
        %jit3A_408 = arith.constant 49791 : i32
        %max3A_409 = vector.broadcast %jit3A_407 : i32 to vector<16xi32>
        %max3A_410 = arith.maxsi %max3A_409, %sub3A_406 : vector<16xi32>
        %min3A_411 = vector.broadcast %jit3A_408 : i32 to vector<16xi32>
        %min3A_412 = arith.minsi %min3A_411, %max3A_410 : vector<16xi32>
        %sub3A_413 = arith.constant 99968 : i32
        %sub3A_414 = vector.broadcast %sub3A_413 : i32 to vector<16xi32>
        %sub3A_415 = arith.subi %convert_element_type3A_403, %sub3A_414 : vector<16xi32>
        %jit3A_416 = arith.constant 0 : i32
        %jit3A_417 = arith.constant 31 : i32
        %max3A_418 = vector.broadcast %jit3A_416 : i32 to vector<16xi32>
        %max3A_419 = arith.maxsi %max3A_418, %sub3A_415 : vector<16xi32>
        %min3A_420 = vector.broadcast %jit3A_417 : i32 to vector<16xi32>
        %min3A_421 = arith.minsi %min3A_420, %max3A_419 : vector<16xi32>
        %gather3A_422 = tpu.vector_load_idx %arg7[%min3A_412] : memref<49792xf32, #tpu.memory_space<vmem>>[vector<16xi32>], vector<16xf32>,
        %gather3A_423 = tpu.vector_load_idx %arg8[%min3A_421] : memref<32xf32, #tpu.memory_space<vmem>>[vector<16xi32>], vector<16xf32>,
        %get3A_424 = arith.index_cast %add3A_400 : i32 to index
        %get3A_425 = tpu.vector_load %arg10[%get3A_424] {strides = array<i32>} : memref<4096xf32, #tpu.memory_space<vmem>>, vector<16xf32>,
        %ge3A_426 = arith.constant 50176 : i32
        %ge3A_427 = vector.broadcast %ge3A_426 : i32 to vector<16xi32>
        %ge3A_428 = arith.cmpi sge, %convert_element_type3A_403, %ge3A_427 : vector<16xi32>
        %select_n3A_429 = arith.select %ge3A_428, %gather3A_422, %get3A_425 : vector<16xi1>, vector<16xf32>
        %ge3A_430 = arith.constant 99968 : i32
        %ge3A_431 = vector.broadcast %ge3A_430 : i32 to vector<16xi32>
        %ge3A_432 = arith.cmpi sge, %convert_element_type3A_403, %ge3A_431 : vector<16xi32>
        %select_n3A_433 = arith.select %ge3A_432, %gather3A_423, %select_n3A_429 : vector<16xi1>, vector<16xf32>
        %swap3A_434 = arith.index_cast %add3A_400 : i32 to index
        %swap3A_435 = tpu.vector_load %arg10[%swap3A_434] {strides = array<i32>} : memref<4096xf32, #tpu.memory_space<vmem>>, vector<16xf32>,
        tpu.vector_store %arg10[%swap3A_434], %select_n3A_433 {strides = array<i32>} : memref<4096xf32, #tpu.memory_space<vmem>>, vector<16xf32>,
        %mul3A_436 = arith.constant 256 : i32
        %mul3A_437 = arith.muli %scan3A_249, %mul3A_436 : i32
        %add3A_438 = arith.constant 80 : i32
        %add3A_439 = arith.addi %mul3A_437, %add3A_438 : i32
        %get3A_440 = arith.index_cast %add3A_439 : i32 to index
        %get3A_441 = tpu.vector_load %arg9[%get3A_440] {strides = array<i32>} : memref<4096xf32, #tpu.memory_space<vmem>>, vector<16xf32>,
        %convert_element_type3A_442 = arith.fptosi %get3A_441 : vector<16xf32> to vector<16xi32>
        %sub3A_443 = arith.constant 50176 : i32
        %sub3A_444 = vector.broadcast %sub3A_443 : i32 to vector<16xi32>
        %sub3A_445 = arith.subi %convert_element_type3A_442, %sub3A_444 : vector<16xi32>
        %jit3A_446 = arith.constant 0 : i32
        %jit3A_447 = arith.constant 49791 : i32
        %max3A_448 = vector.broadcast %jit3A_446 : i32 to vector<16xi32>
        %max3A_449 = arith.maxsi %max3A_448, %sub3A_445 : vector<16xi32>
        %min3A_450 = vector.broadcast %jit3A_447 : i32 to vector<16xi32>
        %min3A_451 = arith.minsi %min3A_450, %max3A_449 : vector<16xi32>
        %sub3A_452 = arith.constant 99968 : i32
        %sub3A_453 = vector.broadcast %sub3A_452 : i32 to vector<16xi32>
        %sub3A_454 = arith.subi %convert_element_type3A_442, %sub3A_453 : vector<16xi32>
        %jit3A_455 = arith.constant 0 : i32
        %jit3A_456 = arith.constant 31 : i32
        %max3A_457 = vector.broadcast %jit3A_455 : i32 to vector<16xi32>
        %max3A_458 = arith.maxsi %max3A_457, %sub3A_454 : vector<16xi32>
        %min3A_459 = vector.broadcast %jit3A_456 : i32 to vector<16xi32>
        %min3A_460 = arith.minsi %min3A_459, %max3A_458 : vector<16xi32>
        %gather3A_461 = tpu.vector_load_idx %arg7[%min3A_451] : memref<49792xf32, #tpu.memory_space<vmem>>[vector<16xi32>], vector<16xf32>,
        %gather3A_462 = tpu.vector_load_idx %arg8[%min3A_460] : memref<32xf32, #tpu.memory_space<vmem>>[vector<16xi32>], vector<16xf32>,
        %get3A_463 = arith.index_cast %add3A_439 : i32 to index
        %get3A_464 = tpu.vector_load %arg10[%get3A_463] {strides = array<i32>} : memref<4096xf32, #tpu.memory_space<vmem>>, vector<16xf32>,
        %ge3A_465 = arith.constant 50176 : i32
        %ge3A_466 = vector.broadcast %ge3A_465 : i32 to vector<16xi32>
        %ge3A_467 = arith.cmpi sge, %convert_element_type3A_442, %ge3A_466 : vector<16xi32>
        %select_n3A_468 = arith.select %ge3A_467, %gather3A_461, %get3A_464 : vector<16xi1>, vector<16xf32>
        %ge3A_469 = arith.constant 99968 : i32
        %ge3A_470 = vector.broadcast %ge3A_469 : i32 to vector<16xi32>
        %ge3A_471 = arith.cmpi sge, %convert_element_type3A_442, %ge3A_470 : vector<16xi32>
        %select_n3A_472 = arith.select %ge3A_471, %gather3A_462, %select_n3A_468 : vector<16xi1>, vector<16xf32>
        %swap3A_473 = arith.index_cast %add3A_439 : i32 to index
        %swap3A_474 = tpu.vector_load %arg10[%swap3A_473] {strides = array<i32>} : memref<4096xf32, #tpu.memory_space<vmem>>, vector<16xf32>,
        tpu.vector_store %arg10[%swap3A_473], %select_n3A_472 {strides = array<i32>} : memref<4096xf32, #tpu.memory_space<vmem>>, vector<16xf32>,
        %mul3A_475 = arith.constant 256 : i32
        %mul3A_476 = arith.muli %scan3A_249, %mul3A_475 : i32
        %add3A_477 = arith.constant 96 : i32
        %add3A_478 = arith.addi %mul3A_476, %add3A_477 : i32
        %get3A_479 = arith.index_cast %add3A_478 : i32 to index
        %get3A_480 = tpu.vector_load %arg9[%get3A_479] {strides = array<i32>} : memref<4096xf32, #tpu.memory_space<vmem>>, vector<16xf32>,
        %convert_element_type3A_481 = arith.fptosi %get3A_480 : vector<16xf32> to vector<16xi32>
        %sub3A_482 = arith.constant 50176 : i32
        %sub3A_483 = vector.broadcast %sub3A_482 : i32 to vector<16xi32>
        %sub3A_484 = arith.subi %convert_element_type3A_481, %sub3A_483 : vector<16xi32>
        %jit3A_485 = arith.constant 0 : i32
        %jit3A_486 = arith.constant 49791 : i32
        %max3A_487 = vector.broadcast %jit3A_485 : i32 to vector<16xi32>
        %max3A_488 = arith.maxsi %max3A_487, %sub3A_484 : vector<16xi32>
        %min3A_489 = vector.broadcast %jit3A_486 : i32 to vector<16xi32>
        %min3A_490 = arith.minsi %min3A_489, %max3A_488 : vector<16xi32>
        %sub3A_491 = arith.constant 99968 : i32
        %sub3A_492 = vector.broadcast %sub3A_491 : i32 to vector<16xi32>
        %sub3A_493 = arith.subi %convert_element_type3A_481, %sub3A_492 : vector<16xi32>
        %jit3A_494 = arith.constant 0 : i32
        %jit3A_495 = arith.constant 31 : i32
        %max3A_496 = vector.broadcast %jit3A_494 : i32 to vector<16xi32>
        %max3A_497 = arith.maxsi %max3A_496, %sub3A_493 : vector<16xi32>
        %min3A_498 = vector.broadcast %jit3A_495 : i32 to vector<16xi32>
        %min3A_499 = arith.minsi %min3A_498, %max3A_497 : vector<16xi32>
        %gather3A_500 = tpu.vector_load_idx %arg7[%min3A_490] : memref<49792xf32, #tpu.memory_space<vmem>>[vector<16xi32>], vector<16xf32>,
        %gather3A_501 = tpu.vector_load_idx %arg8[%min3A_499] : memref<32xf32, #tpu.memory_space<vmem>>[vector<16xi32>], vector<16xf32>,
        %get3A_502 = arith.index_cast %add3A_478 : i32 to index
        %get3A_503 = tpu.vector_load %arg10[%get3A_502] {strides = array<i32>} : memref<4096xf32, #tpu.memory_space<vmem>>, vector<16xf32>,
        %ge3A_504 = arith.constant 50176 : i32
        %ge3A_505 = vector.broadcast %ge3A_504 : i32 to vector<16xi32>
        %ge3A_506 = arith.cmpi sge, %convert_element_type3A_481, %ge3A_505 : vector<16xi32>
        %select_n3A_507 = arith.select %ge3A_506, %gather3A_500, %get3A_503 : vector<16xi1>, vector<16xf32>
        %ge3A_508 = arith.constant 99968 : i32
        %ge3A_509 = vector.broadcast %ge3A_508 : i32 to vector<16xi32>
        %ge3A_510 = arith.cmpi sge, %convert_element_type3A_481, %ge3A_509 : vector<16xi32>
        %select_n3A_511 = arith.select %ge3A_510, %gather3A_501, %select_n3A_507 : vector<16xi1>, vector<16xf32>
        %swap3A_512 = arith.index_cast %add3A_478 : i32 to index
        %swap3A_513 = tpu.vector_load %arg10[%swap3A_512] {strides = array<i32>} : memref<4096xf32, #tpu.memory_space<vmem>>, vector<16xf32>,
        tpu.vector_store %arg10[%swap3A_512], %select_n3A_511 {strides = array<i32>} : memref<4096xf32, #tpu.memory_space<vmem>>, vector<16xf32>,
        %mul3A_514 = arith.constant 256 : i32
        %mul3A_515 = arith.muli %scan3A_249, %mul3A_514 : i32
        %add3A_516 = arith.constant 112 : i32
        %add3A_517 = arith.addi %mul3A_515, %add3A_516 : i32
        %get3A_518 = arith.index_cast %add3A_517 : i32 to index
        %get3A_519 = tpu.vector_load %arg9[%get3A_518] {strides = array<i32>} : memref<4096xf32, #tpu.memory_space<vmem>>, vector<16xf32>,
        %convert_element_type3A_520 = arith.fptosi %get3A_519 : vector<16xf32> to vector<16xi32>
        %sub3A_521 = arith.constant 50176 : i32
        %sub3A_522 = vector.broadcast %sub3A_521 : i32 to vector<16xi32>
        %sub3A_523 = arith.subi %convert_element_type3A_520, %sub3A_522 : vector<16xi32>
        %jit3A_524 = arith.constant 0 : i32
        %jit3A_525 = arith.constant 49791 : i32
        %max3A_526 = vector.broadcast %jit3A_524 : i32 to vector<16xi32>
        %max3A_527 = arith.maxsi %max3A_526, %sub3A_523 : vector<16xi32>
        %min3A_528 = vector.broadcast %jit3A_525 : i32 to vector<16xi32>
        %min3A_529 = arith.minsi %min3A_528, %max3A_527 : vector<16xi32>
        %sub3A_530 = arith.constant 99968 : i32
        %sub3A_531 = vector.broadcast %sub3A_530 : i32 to vector<16xi32>
        %sub3A_532 = arith.subi %convert_element_type3A_520, %sub3A_531 : vector<16xi32>
        %jit3A_533 = arith.constant 0 : i32
        %jit3A_534 = arith.constant 31 : i32
        %max3A_535 = vector.broadcast %jit3A_533 : i32 to vector<16xi32>
        %max3A_536 = arith.maxsi %max3A_535, %sub3A_532 : vector<16xi32>
        %min3A_537 = vector.broadcast %jit3A_534 : i32 to vector<16xi32>
        %min3A_538 = arith.minsi %min3A_537, %max3A_536 : vector<16xi32>
        %gather3A_539 = tpu.vector_load_idx %arg7[%min3A_529] : memref<49792xf32, #tpu.memory_space<vmem>>[vector<16xi32>], vector<16xf32>,
        %gather3A_540 = tpu.vector_load_idx %arg8[%min3A_538] : memref<32xf32, #tpu.memory_space<vmem>>[vector<16xi32>], vector<16xf32>,
        %get3A_541 = arith.index_cast %add3A_517 : i32 to index
        %get3A_542 = tpu.vector_load %arg10[%get3A_541] {strides = array<i32>} : memref<4096xf32, #tpu.memory_space<vmem>>, vector<16xf32>,
        %ge3A_543 = arith.constant 50176 : i32
        %ge3A_544 = vector.broadcast %ge3A_543 : i32 to vector<16xi32>
        %ge3A_545 = arith.cmpi sge, %convert_element_type3A_520, %ge3A_544 : vector<16xi32>
        %select_n3A_546 = arith.select %ge3A_545, %gather3A_539, %get3A_542 : vector<16xi1>, vector<16xf32>
        %ge3A_547 = arith.constant 99968 : i32
        %ge3A_548 = vector.broadcast %ge3A_547 : i32 to vector<16xi32>
        %ge3A_549 = arith.cmpi sge, %convert_element_type3A_520, %ge3A_548 : vector<16xi32>
        %select_n3A_550 = arith.select %ge3A_549, %gather3A_540, %select_n3A_546 : vector<16xi1>, vector<16xf32>
        %swap3A_551 = arith.index_cast %add3A_517 : i32 to index
        %swap3A_552 = tpu.vector_load %arg10[%swap3A_551] {strides = array<i32>} : memref<4096xf32, #tpu.memory_space<vmem>>, vector<16xf32>,
        tpu.vector_store %arg10[%swap3A_551], %select_n3A_550 {strides = array<i32>} : memref<4096xf32, #tpu.memory_space<vmem>>, vector<16xf32>,
        %mul3A_553 = arith.constant 256 : i32
        %mul3A_554 = arith.muli %scan3A_249, %mul3A_553 : i32
        %add3A_555 = arith.constant 128 : i32
        %add3A_556 = arith.addi %mul3A_554, %add3A_555 : i32
        %get3A_557 = arith.index_cast %add3A_556 : i32 to index
        %get3A_558 = tpu.vector_load %arg9[%get3A_557] {strides = array<i32>} : memref<4096xf32, #tpu.memory_space<vmem>>, vector<16xf32>,
        %convert_element_type3A_559 = arith.fptosi %get3A_558 : vector<16xf32> to vector<16xi32>
        %sub3A_560 = arith.constant 50176 : i32
        %sub3A_561 = vector.broadcast %sub3A_560 : i32 to vector<16xi32>
        %sub3A_562 = arith.subi %convert_element_type3A_559, %sub3A_561 : vector<16xi32>
        %jit3A_563 = arith.constant 0 : i32
        %jit3A_564 = arith.constant 49791 : i32
        %max3A_565 = vector.broadcast %jit3A_563 : i32 to vector<16xi32>
        %max3A_566 = arith.maxsi %max3A_565, %sub3A_562 : vector<16xi32>
        %min3A_567 = vector.broadcast %jit3A_564 : i32 to vector<16xi32>
        %min3A_568 = arith.minsi %min3A_567, %max3A_566 : vector<16xi32>
        %sub3A_569 = arith.constant 99968 : i32
        %sub3A_570 = vector.broadcast %sub3A_569 : i32 to vector<16xi32>
        %sub3A_571 = arith.subi %convert_element_type3A_559, %sub3A_570 : vector<16xi32>
        %jit3A_572 = arith.constant 0 : i32
        %jit3A_573 = arith.constant 31 : i32
        %max3A_574 = vector.broadcast %jit3A_572 : i32 to vector<16xi32>
        %max3A_575 = arith.maxsi %max3A_574, %sub3A_571 : vector<16xi32>
        %min3A_576 = vector.broadcast %jit3A_573 : i32 to vector<16xi32>
        %min3A_577 = arith.minsi %min3A_576, %max3A_575 : vector<16xi32>
        %gather3A_578 = tpu.vector_load_idx %arg7[%min3A_568] : memref<49792xf32, #tpu.memory_space<vmem>>[vector<16xi32>], vector<16xf32>,
        %gather3A_579 = tpu.vector_load_idx %arg8[%min3A_577] : memref<32xf32, #tpu.memory_space<vmem>>[vector<16xi32>], vector<16xf32>,
        %get3A_580 = arith.index_cast %add3A_556 : i32 to index
        %get3A_581 = tpu.vector_load %arg10[%get3A_580] {strides = array<i32>} : memref<4096xf32, #tpu.memory_space<vmem>>, vector<16xf32>,
        %ge3A_582 = arith.constant 50176 : i32
        %ge3A_583 = vector.broadcast %ge3A_582 : i32 to vector<16xi32>
        %ge3A_584 = arith.cmpi sge, %convert_element_type3A_559, %ge3A_583 : vector<16xi32>
        %select_n3A_585 = arith.select %ge3A_584, %gather3A_578, %get3A_581 : vector<16xi1>, vector<16xf32>
        %ge3A_586 = arith.constant 99968 : i32
        %ge3A_587 = vector.broadcast %ge3A_586 : i32 to vector<16xi32>
        %ge3A_588 = arith.cmpi sge, %convert_element_type3A_559, %ge3A_587 : vector<16xi32>
        %select_n3A_589 = arith.select %ge3A_588, %gather3A_579, %select_n3A_585 : vector<16xi1>, vector<16xf32>
        %swap3A_590 = arith.index_cast %add3A_556 : i32 to index
        %swap3A_591 = tpu.vector_load %arg10[%swap3A_590] {strides = array<i32>} : memref<4096xf32, #tpu.memory_space<vmem>>, vector<16xf32>,
        tpu.vector_store %arg10[%swap3A_590], %select_n3A_589 {strides = array<i32>} : memref<4096xf32, #tpu.memory_space<vmem>>, vector<16xf32>,
        %mul3A_592 = arith.constant 256 : i32
        %mul3A_593 = arith.muli %scan3A_249, %mul3A_592 : i32
        %add3A_594 = arith.constant 144 : i32
        %add3A_595 = arith.addi %mul3A_593, %add3A_594 : i32
        %get3A_596 = arith.index_cast %add3A_595 : i32 to index
        %get3A_597 = tpu.vector_load %arg9[%get3A_596] {strides = array<i32>} : memref<4096xf32, #tpu.memory_space<vmem>>, vector<16xf32>,
        %convert_element_type3A_598 = arith.fptosi %get3A_597 : vector<16xf32> to vector<16xi32>
        %sub3A_599 = arith.constant 50176 : i32
        %sub3A_600 = vector.broadcast %sub3A_599 : i32 to vector<16xi32>
        %sub3A_601 = arith.subi %convert_element_type3A_598, %sub3A_600 : vector<16xi32>
        %jit3A_602 = arith.constant 0 : i32
        %jit3A_603 = arith.constant 49791 : i32
        %max3A_604 = vector.broadcast %jit3A_602 : i32 to vector<16xi32>
        %max3A_605 = arith.maxsi %max3A_604, %sub3A_601 : vector<16xi32>
        %min3A_606 = vector.broadcast %jit3A_603 : i32 to vector<16xi32>
        %min3A_607 = arith.minsi %min3A_606, %max3A_605 : vector<16xi32>
        %sub3A_608 = arith.constant 99968 : i32
        %sub3A_609 = vector.broadcast %sub3A_608 : i32 to vector<16xi32>
        %sub3A_610 = arith.subi %convert_element_type3A_598, %sub3A_609 : vector<16xi32>
        %jit3A_611 = arith.constant 0 : i32
        %jit3A_612 = arith.constant 31 : i32
        %max3A_613 = vector.broadcast %jit3A_611 : i32 to vector<16xi32>
        %max3A_614 = arith.maxsi %max3A_613, %sub3A_610 : vector<16xi32>
        %min3A_615 = vector.broadcast %jit3A_612 : i32 to vector<16xi32>
        %min3A_616 = arith.minsi %min3A_615, %max3A_614 : vector<16xi32>
        %gather3A_617 = tpu.vector_load_idx %arg7[%min3A_607] : memref<49792xf32, #tpu.memory_space<vmem>>[vector<16xi32>], vector<16xf32>,
        %gather3A_618 = tpu.vector_load_idx %arg8[%min3A_616] : memref<32xf32, #tpu.memory_space<vmem>>[vector<16xi32>], vector<16xf32>,
        %get3A_619 = arith.index_cast %add3A_595 : i32 to index
        %get3A_620 = tpu.vector_load %arg10[%get3A_619] {strides = array<i32>} : memref<4096xf32, #tpu.memory_space<vmem>>, vector<16xf32>,
        %ge3A_621 = arith.constant 50176 : i32
        %ge3A_622 = vector.broadcast %ge3A_621 : i32 to vector<16xi32>
        %ge3A_623 = arith.cmpi sge, %convert_element_type3A_598, %ge3A_622 : vector<16xi32>
        %select_n3A_624 = arith.select %ge3A_623, %gather3A_617, %get3A_620 : vector<16xi1>, vector<16xf32>
        %ge3A_625 = arith.constant 99968 : i32
        %ge3A_626 = vector.broadcast %ge3A_625 : i32 to vector<16xi32>
        %ge3A_627 = arith.cmpi sge, %convert_element_type3A_598, %ge3A_626 : vector<16xi32>
        %select_n3A_628 = arith.select %ge3A_627, %gather3A_618, %select_n3A_624 : vector<16xi1>, vector<16xf32>
        %swap3A_629 = arith.index_cast %add3A_595 : i32 to index
        %swap3A_630 = tpu.vector_load %arg10[%swap3A_629] {strides = array<i32>} : memref<4096xf32, #tpu.memory_space<vmem>>, vector<16xf32>,
        tpu.vector_store %arg10[%swap3A_629], %select_n3A_628 {strides = array<i32>} : memref<4096xf32, #tpu.memory_space<vmem>>, vector<16xf32>,
        %mul3A_631 = arith.constant 256 : i32
        %mul3A_632 = arith.muli %scan3A_249, %mul3A_631 : i32
        %add3A_633 = arith.constant 160 : i32
        %add3A_634 = arith.addi %mul3A_632, %add3A_633 : i32
        %get3A_635 = arith.index_cast %add3A_634 : i32 to index
        %get3A_636 = tpu.vector_load %arg9[%get3A_635] {strides = array<i32>} : memref<4096xf32, #tpu.memory_space<vmem>>, vector<16xf32>,
        %convert_element_type3A_637 = arith.fptosi %get3A_636 : vector<16xf32> to vector<16xi32>
        %sub3A_638 = arith.constant 50176 : i32
        %sub3A_639 = vector.broadcast %sub3A_638 : i32 to vector<16xi32>
        %sub3A_640 = arith.subi %convert_element_type3A_637, %sub3A_639 : vector<16xi32>
        %jit3A_641 = arith.constant 0 : i32
        %jit3A_642 = arith.constant 49791 : i32
        %max3A_643 = vector.broadcast %jit3A_641 : i32 to vector<16xi32>
        %max3A_644 = arith.maxsi %max3A_643, %sub3A_640 : vector<16xi32>
        %min3A_645 = vector.broadcast %jit3A_642 : i32 to vector<16xi32>
        %min3A_646 = arith.minsi %min3A_645, %max3A_644 : vector<16xi32>
        %sub3A_647 = arith.constant 99968 : i32
        %sub3A_648 = vector.broadcast %sub3A_647 : i32 to vector<16xi32>
        %sub3A_649 = arith.subi %convert_element_type3A_637, %sub3A_648 : vector<16xi32>
        %jit3A_650 = arith.constant 0 : i32
        %jit3A_651 = arith.constant 31 : i32
        %max3A_652 = vector.broadcast %jit3A_650 : i32 to vector<16xi32>
        %max3A_653 = arith.maxsi %max3A_652, %sub3A_649 : vector<16xi32>
        %min3A_654 = vector.broadcast %jit3A_651 : i32 to vector<16xi32>
        %min3A_655 = arith.minsi %min3A_654, %max3A_653 : vector<16xi32>
        %gather3A_656 = tpu.vector_load_idx %arg7[%min3A_646] : memref<49792xf32, #tpu.memory_space<vmem>>[vector<16xi32>], vector<16xf32>,
        %gather3A_657 = tpu.vector_load_idx %arg8[%min3A_655] : memref<32xf32, #tpu.memory_space<vmem>>[vector<16xi32>], vector<16xf32>,
        %get3A_658 = arith.index_cast %add3A_634 : i32 to index
        %get3A_659 = tpu.vector_load %arg10[%get3A_658] {strides = array<i32>} : memref<4096xf32, #tpu.memory_space<vmem>>, vector<16xf32>,
        %ge3A_660 = arith.constant 50176 : i32
        %ge3A_661 = vector.broadcast %ge3A_660 : i32 to vector<16xi32>
        %ge3A_662 = arith.cmpi sge, %convert_element_type3A_637, %ge3A_661 : vector<16xi32>
        %select_n3A_663 = arith.select %ge3A_662, %gather3A_656, %get3A_659 : vector<16xi1>, vector<16xf32>
        %ge3A_664 = arith.constant 99968 : i32
        %ge3A_665 = vector.broadcast %ge3A_664 : i32 to vector<16xi32>
        %ge3A_666 = arith.cmpi sge, %convert_element_type3A_637, %ge3A_665 : vector<16xi32>
        %select_n3A_667 = arith.select %ge3A_666, %gather3A_657, %select_n3A_663 : vector<16xi1>, vector<16xf32>
        %swap3A_668 = arith.index_cast %add3A_634 : i32 to index
        %swap3A_669 = tpu.vector_load %arg10[%swap3A_668] {strides = array<i32>} : memref<4096xf32, #tpu.memory_space<vmem>>, vector<16xf32>,
        tpu.vector_store %arg10[%swap3A_668], %select_n3A_667 {strides = array<i32>} : memref<4096xf32, #tpu.memory_space<vmem>>, vector<16xf32>,
        %mul3A_670 = arith.constant 256 : i32
        %mul3A_671 = arith.muli %scan3A_249, %mul3A_670 : i32
        %add3A_672 = arith.constant 176 : i32
        %add3A_673 = arith.addi %mul3A_671, %add3A_672 : i32
        %get3A_674 = arith.index_cast %add3A_673 : i32 to index
        %get3A_675 = tpu.vector_load %arg9[%get3A_674] {strides = array<i32>} : memref<4096xf32, #tpu.memory_space<vmem>>, vector<16xf32>,
        %convert_element_type3A_676 = arith.fptosi %get3A_675 : vector<16xf32> to vector<16xi32>
        %sub3A_677 = arith.constant 50176 : i32
        %sub3A_678 = vector.broadcast %sub3A_677 : i32 to vector<16xi32>
        %sub3A_679 = arith.subi %convert_element_type3A_676, %sub3A_678 : vector<16xi32>
        %jit3A_680 = arith.constant 0 : i32
        %jit3A_681 = arith.constant 49791 : i32
        %max3A_682 = vector.broadcast %jit3A_680 : i32 to vector<16xi32>
        %max3A_683 = arith.maxsi %max3A_682, %sub3A_679 : vector<16xi32>
        %min3A_684 = vector.broadcast %jit3A_681 : i32 to vector<16xi32>
        %min3A_685 = arith.minsi %min3A_684, %max3A_683 : vector<16xi32>
        %sub3A_686 = arith.constant 99968 : i32
        %sub3A_687 = vector.broadcast %sub3A_686 : i32 to vector<16xi32>
        %sub3A_688 = arith.subi %convert_element_type3A_676, %sub3A_687 : vector<16xi32>
        %jit3A_689 = arith.constant 0 : i32
        %jit3A_690 = arith.constant 31 : i32
        %max3A_691 = vector.broadcast %jit3A_689 : i32 to vector<16xi32>
        %max3A_692 = arith.maxsi %max3A_691, %sub3A_688 : vector<16xi32>
        %min3A_693 = vector.broadcast %jit3A_690 : i32 to vector<16xi32>
        %min3A_694 = arith.minsi %min3A_693, %max3A_692 : vector<16xi32>
        %gather3A_695 = tpu.vector_load_idx %arg7[%min3A_685] : memref<49792xf32, #tpu.memory_space<vmem>>[vector<16xi32>], vector<16xf32>,
        %gather3A_696 = tpu.vector_load_idx %arg8[%min3A_694] : memref<32xf32, #tpu.memory_space<vmem>>[vector<16xi32>], vector<16xf32>,
        %get3A_697 = arith.index_cast %add3A_673 : i32 to index
        %get3A_698 = tpu.vector_load %arg10[%get3A_697] {strides = array<i32>} : memref<4096xf32, #tpu.memory_space<vmem>>, vector<16xf32>,
        %ge3A_699 = arith.constant 50176 : i32
        %ge3A_700 = vector.broadcast %ge3A_699 : i32 to vector<16xi32>
        %ge3A_701 = arith.cmpi sge, %convert_element_type3A_676, %ge3A_700 : vector<16xi32>
        %select_n3A_702 = arith.select %ge3A_701, %gather3A_695, %get3A_698 : vector<16xi1>, vector<16xf32>
        %ge3A_703 = arith.constant 99968 : i32
        %ge3A_704 = vector.broadcast %ge3A_703 : i32 to vector<16xi32>
        %ge3A_705 = arith.cmpi sge, %convert_element_type3A_676, %ge3A_704 : vector<16xi32>
        %select_n3A_706 = arith.select %ge3A_705, %gather3A_696, %select_n3A_702 : vector<16xi1>, vector<16xf32>
        %swap3A_707 = arith.index_cast %add3A_673 : i32 to index
        %swap3A_708 = tpu.vector_load %arg10[%swap3A_707] {strides = array<i32>} : memref<4096xf32, #tpu.memory_space<vmem>>, vector<16xf32>,
        tpu.vector_store %arg10[%swap3A_707], %select_n3A_706 {strides = array<i32>} : memref<4096xf32, #tpu.memory_space<vmem>>, vector<16xf32>,
        %mul3A_709 = arith.constant 256 : i32
        %mul3A_710 = arith.muli %scan3A_249, %mul3A_709 : i32
        %add3A_711 = arith.constant 192 : i32
        %add3A_712 = arith.addi %mul3A_710, %add3A_711 : i32
        %get3A_713 = arith.index_cast %add3A_712 : i32 to index
        %get3A_714 = tpu.vector_load %arg9[%get3A_713] {strides = array<i32>} : memref<4096xf32, #tpu.memory_space<vmem>>, vector<16xf32>,
        %convert_element_type3A_715 = arith.fptosi %get3A_714 : vector<16xf32> to vector<16xi32>
        %sub3A_716 = arith.constant 50176 : i32
        %sub3A_717 = vector.broadcast %sub3A_716 : i32 to vector<16xi32>
        %sub3A_718 = arith.subi %convert_element_type3A_715, %sub3A_717 : vector<16xi32>
        %jit3A_719 = arith.constant 0 : i32
        %jit3A_720 = arith.constant 49791 : i32
        %max3A_721 = vector.broadcast %jit3A_719 : i32 to vector<16xi32>
        %max3A_722 = arith.maxsi %max3A_721, %sub3A_718 : vector<16xi32>
        %min3A_723 = vector.broadcast %jit3A_720 : i32 to vector<16xi32>
        %min3A_724 = arith.minsi %min3A_723, %max3A_722 : vector<16xi32>
        %sub3A_725 = arith.constant 99968 : i32
        %sub3A_726 = vector.broadcast %sub3A_725 : i32 to vector<16xi32>
        %sub3A_727 = arith.subi %convert_element_type3A_715, %sub3A_726 : vector<16xi32>
        %jit3A_728 = arith.constant 0 : i32
        %jit3A_729 = arith.constant 31 : i32
        %max3A_730 = vector.broadcast %jit3A_728 : i32 to vector<16xi32>
        %max3A_731 = arith.maxsi %max3A_730, %sub3A_727 : vector<16xi32>
        %min3A_732 = vector.broadcast %jit3A_729 : i32 to vector<16xi32>
        %min3A_733 = arith.minsi %min3A_732, %max3A_731 : vector<16xi32>
        %gather3A_734 = tpu.vector_load_idx %arg7[%min3A_724] : memref<49792xf32, #tpu.memory_space<vmem>>[vector<16xi32>], vector<16xf32>,
        %gather3A_735 = tpu.vector_load_idx %arg8[%min3A_733] : memref<32xf32, #tpu.memory_space<vmem>>[vector<16xi32>], vector<16xf32>,
        %get3A_736 = arith.index_cast %add3A_712 : i32 to index
        %get3A_737 = tpu.vector_load %arg10[%get3A_736] {strides = array<i32>} : memref<4096xf32, #tpu.memory_space<vmem>>, vector<16xf32>,
        %ge3A_738 = arith.constant 50176 : i32
        %ge3A_739 = vector.broadcast %ge3A_738 : i32 to vector<16xi32>
        %ge3A_740 = arith.cmpi sge, %convert_element_type3A_715, %ge3A_739 : vector<16xi32>
        %select_n3A_741 = arith.select %ge3A_740, %gather3A_734, %get3A_737 : vector<16xi1>, vector<16xf32>
        %ge3A_742 = arith.constant 99968 : i32
        %ge3A_743 = vector.broadcast %ge3A_742 : i32 to vector<16xi32>
        %ge3A_744 = arith.cmpi sge, %convert_element_type3A_715, %ge3A_743 : vector<16xi32>
        %select_n3A_745 = arith.select %ge3A_744, %gather3A_735, %select_n3A_741 : vector<16xi1>, vector<16xf32>
        %swap3A_746 = arith.index_cast %add3A_712 : i32 to index
        %swap3A_747 = tpu.vector_load %arg10[%swap3A_746] {strides = array<i32>} : memref<4096xf32, #tpu.memory_space<vmem>>, vector<16xf32>,
        tpu.vector_store %arg10[%swap3A_746], %select_n3A_745 {strides = array<i32>} : memref<4096xf32, #tpu.memory_space<vmem>>, vector<16xf32>,
        %mul3A_748 = arith.constant 256 : i32
        %mul3A_749 = arith.muli %scan3A_249, %mul3A_748 : i32
        %add3A_750 = arith.constant 208 : i32
        %add3A_751 = arith.addi %mul3A_749, %add3A_750 : i32
        %get3A_752 = arith.index_cast %add3A_751 : i32 to index
        %get3A_753 = tpu.vector_load %arg9[%get3A_752] {strides = array<i32>} : memref<4096xf32, #tpu.memory_space<vmem>>, vector<16xf32>,
        %convert_element_type3A_754 = arith.fptosi %get3A_753 : vector<16xf32> to vector<16xi32>
        %sub3A_755 = arith.constant 50176 : i32
        %sub3A_756 = vector.broadcast %sub3A_755 : i32 to vector<16xi32>
        %sub3A_757 = arith.subi %convert_element_type3A_754, %sub3A_756 : vector<16xi32>
        %jit3A_758 = arith.constant 0 : i32
        %jit3A_759 = arith.constant 49791 : i32
        %max3A_760 = vector.broadcast %jit3A_758 : i32 to vector<16xi32>
        %max3A_761 = arith.maxsi %max3A_760, %sub3A_757 : vector<16xi32>
        %min3A_762 = vector.broadcast %jit3A_759 : i32 to vector<16xi32>
        %min3A_763 = arith.minsi %min3A_762, %max3A_761 : vector<16xi32>
        %sub3A_764 = arith.constant 99968 : i32
        %sub3A_765 = vector.broadcast %sub3A_764 : i32 to vector<16xi32>
        %sub3A_766 = arith.subi %convert_element_type3A_754, %sub3A_765 : vector<16xi32>
        %jit3A_767 = arith.constant 0 : i32
        %jit3A_768 = arith.constant 31 : i32
        %max3A_769 = vector.broadcast %jit3A_767 : i32 to vector<16xi32>
        %max3A_770 = arith.maxsi %max3A_769, %sub3A_766 : vector<16xi32>
        %min3A_771 = vector.broadcast %jit3A_768 : i32 to vector<16xi32>
        %min3A_772 = arith.minsi %min3A_771, %max3A_770 : vector<16xi32>
        %gather3A_773 = tpu.vector_load_idx %arg7[%min3A_763] : memref<49792xf32, #tpu.memory_space<vmem>>[vector<16xi32>], vector<16xf32>,
        %gather3A_774 = tpu.vector_load_idx %arg8[%min3A_772] : memref<32xf32, #tpu.memory_space<vmem>>[vector<16xi32>], vector<16xf32>,
        %get3A_775 = arith.index_cast %add3A_751 : i32 to index
        %get3A_776 = tpu.vector_load %arg10[%get3A_775] {strides = array<i32>} : memref<4096xf32, #tpu.memory_space<vmem>>, vector<16xf32>,
        %ge3A_777 = arith.constant 50176 : i32
        %ge3A_778 = vector.broadcast %ge3A_777 : i32 to vector<16xi32>
        %ge3A_779 = arith.cmpi sge, %convert_element_type3A_754, %ge3A_778 : vector<16xi32>
        %select_n3A_780 = arith.select %ge3A_779, %gather3A_773, %get3A_776 : vector<16xi1>, vector<16xf32>
        %ge3A_781 = arith.constant 99968 : i32
        %ge3A_782 = vector.broadcast %ge3A_781 : i32 to vector<16xi32>
        %ge3A_783 = arith.cmpi sge, %convert_element_type3A_754, %ge3A_782 : vector<16xi32>
        %select_n3A_784 = arith.select %ge3A_783, %gather3A_774, %select_n3A_780 : vector<16xi1>, vector<16xf32>
        %swap3A_785 = arith.index_cast %add3A_751 : i32 to index
        %swap3A_786 = tpu.vector_load %arg10[%swap3A_785] {strides = array<i32>} : memref<4096xf32, #tpu.memory_space<vmem>>, vector<16xf32>,
        tpu.vector_store %arg10[%swap3A_785], %select_n3A_784 {strides = array<i32>} : memref<4096xf32, #tpu.memory_space<vmem>>, vector<16xf32>,
        %mul3A_787 = arith.constant 256 : i32
        %mul3A_788 = arith.muli %scan3A_249, %mul3A_787 : i32
        %add3A_789 = arith.constant 224 : i32
        %add3A_790 = arith.addi %mul3A_788, %add3A_789 : i32
        %get3A_791 = arith.index_cast %add3A_790 : i32 to index
        %get3A_792 = tpu.vector_load %arg9[%get3A_791] {strides = array<i32>} : memref<4096xf32, #tpu.memory_space<vmem>>, vector<16xf32>,
        %convert_element_type3A_793 = arith.fptosi %get3A_792 : vector<16xf32> to vector<16xi32>
        %sub3A_794 = arith.constant 50176 : i32
        %sub3A_795 = vector.broadcast %sub3A_794 : i32 to vector<16xi32>
        %sub3A_796 = arith.subi %convert_element_type3A_793, %sub3A_795 : vector<16xi32>
        %jit3A_797 = arith.constant 0 : i32
        %jit3A_798 = arith.constant 49791 : i32
        %max3A_799 = vector.broadcast %jit3A_797 : i32 to vector<16xi32>
        %max3A_800 = arith.maxsi %max3A_799, %sub3A_796 : vector<16xi32>
        %min3A_801 = vector.broadcast %jit3A_798 : i32 to vector<16xi32>
        %min3A_802 = arith.minsi %min3A_801, %max3A_800 : vector<16xi32>
        %sub3A_803 = arith.constant 99968 : i32
        %sub3A_804 = vector.broadcast %sub3A_803 : i32 to vector<16xi32>
        %sub3A_805 = arith.subi %convert_element_type3A_793, %sub3A_804 : vector<16xi32>
        %jit3A_806 = arith.constant 0 : i32
        %jit3A_807 = arith.constant 31 : i32
        %max3A_808 = vector.broadcast %jit3A_806 : i32 to vector<16xi32>
        %max3A_809 = arith.maxsi %max3A_808, %sub3A_805 : vector<16xi32>
        %min3A_810 = vector.broadcast %jit3A_807 : i32 to vector<16xi32>
        %min3A_811 = arith.minsi %min3A_810, %max3A_809 : vector<16xi32>
        %gather3A_812 = tpu.vector_load_idx %arg7[%min3A_802] : memref<49792xf32, #tpu.memory_space<vmem>>[vector<16xi32>], vector<16xf32>,
        %gather3A_813 = tpu.vector_load_idx %arg8[%min3A_811] : memref<32xf32, #tpu.memory_space<vmem>>[vector<16xi32>], vector<16xf32>,
        %get3A_814 = arith.index_cast %add3A_790 : i32 to index
        %get3A_815 = tpu.vector_load %arg10[%get3A_814] {strides = array<i32>} : memref<4096xf32, #tpu.memory_space<vmem>>, vector<16xf32>,
        %ge3A_816 = arith.constant 50176 : i32
        %ge3A_817 = vector.broadcast %ge3A_816 : i32 to vector<16xi32>
        %ge3A_818 = arith.cmpi sge, %convert_element_type3A_793, %ge3A_817 : vector<16xi32>
        %select_n3A_819 = arith.select %ge3A_818, %gather3A_812, %get3A_815 : vector<16xi1>, vector<16xf32>
        %ge3A_820 = arith.constant 99968 : i32
        %ge3A_821 = vector.broadcast %ge3A_820 : i32 to vector<16xi32>
        %ge3A_822 = arith.cmpi sge, %convert_element_type3A_793, %ge3A_821 : vector<16xi32>
        %select_n3A_823 = arith.select %ge3A_822, %gather3A_813, %select_n3A_819 : vector<16xi1>, vector<16xf32>
        %swap3A_824 = arith.index_cast %add3A_790 : i32 to index
        %swap3A_825 = tpu.vector_load %arg10[%swap3A_824] {strides = array<i32>} : memref<4096xf32, #tpu.memory_space<vmem>>, vector<16xf32>,
        tpu.vector_store %arg10[%swap3A_824], %select_n3A_823 {strides = array<i32>} : memref<4096xf32, #tpu.memory_space<vmem>>, vector<16xf32>,
        %mul3A_826 = arith.constant 256 : i32
        %mul3A_827 = arith.muli %scan3A_249, %mul3A_826 : i32
        %add3A_828 = arith.constant 240 : i32
        %add3A_829 = arith.addi %mul3A_827, %add3A_828 : i32
        %get3A_830 = arith.index_cast %add3A_829 : i32 to index
        %get3A_831 = tpu.vector_load %arg9[%get3A_830] {strides = array<i32>} : memref<4096xf32, #tpu.memory_space<vmem>>, vector<16xf32>,
        %convert_element_type3A_832 = arith.fptosi %get3A_831 : vector<16xf32> to vector<16xi32>
        %sub3A_833 = arith.constant 50176 : i32
        %sub3A_834 = vector.broadcast %sub3A_833 : i32 to vector<16xi32>
        %sub3A_835 = arith.subi %convert_element_type3A_832, %sub3A_834 : vector<16xi32>
        %jit3A_836 = arith.constant 0 : i32
        %jit3A_837 = arith.constant 49791 : i32
        %max3A_838 = vector.broadcast %jit3A_836 : i32 to vector<16xi32>
        %max3A_839 = arith.maxsi %max3A_838, %sub3A_835 : vector<16xi32>
        %min3A_840 = vector.broadcast %jit3A_837 : i32 to vector<16xi32>
        %min3A_841 = arith.minsi %min3A_840, %max3A_839 : vector<16xi32>
        %sub3A_842 = arith.constant 99968 : i32
        %sub3A_843 = vector.broadcast %sub3A_842 : i32 to vector<16xi32>
        %sub3A_844 = arith.subi %convert_element_type3A_832, %sub3A_843 : vector<16xi32>
        %jit3A_845 = arith.constant 0 : i32
        %jit3A_846 = arith.constant 31 : i32
        %max3A_847 = vector.broadcast %jit3A_845 : i32 to vector<16xi32>
        %max3A_848 = arith.maxsi %max3A_847, %sub3A_844 : vector<16xi32>
        %min3A_849 = vector.broadcast %jit3A_846 : i32 to vector<16xi32>
        %min3A_850 = arith.minsi %min3A_849, %max3A_848 : vector<16xi32>
        %gather3A_851 = tpu.vector_load_idx %arg7[%min3A_841] : memref<49792xf32, #tpu.memory_space<vmem>>[vector<16xi32>], vector<16xf32>,
        %gather3A_852 = tpu.vector_load_idx %arg8[%min3A_850] : memref<32xf32, #tpu.memory_space<vmem>>[vector<16xi32>], vector<16xf32>,
        %get3A_853 = arith.index_cast %add3A_829 : i32 to index
        %get3A_854 = tpu.vector_load %arg10[%get3A_853] {strides = array<i32>} : memref<4096xf32, #tpu.memory_space<vmem>>, vector<16xf32>,
        %ge3A_855 = arith.constant 50176 : i32
        %ge3A_856 = vector.broadcast %ge3A_855 : i32 to vector<16xi32>
        %ge3A_857 = arith.cmpi sge, %convert_element_type3A_832, %ge3A_856 : vector<16xi32>
        %select_n3A_858 = arith.select %ge3A_857, %gather3A_851, %get3A_854 : vector<16xi1>, vector<16xf32>
        %ge3A_859 = arith.constant 99968 : i32
        %ge3A_860 = vector.broadcast %ge3A_859 : i32 to vector<16xi32>
        %ge3A_861 = arith.cmpi sge, %convert_element_type3A_832, %ge3A_860 : vector<16xi32>
        %select_n3A_862 = arith.select %ge3A_861, %gather3A_852, %select_n3A_858 : vector<16xi1>, vector<16xf32>
        %swap3A_863 = arith.index_cast %add3A_829 : i32 to index
        %swap3A_864 = tpu.vector_load %arg10[%swap3A_863] {strides = array<i32>} : memref<4096xf32, #tpu.memory_space<vmem>>, vector<16xf32>,
        tpu.vector_store %arg10[%swap3A_863], %select_n3A_862 {strides = array<i32>} : memref<4096xf32, #tpu.memory_space<vmem>>, vector<16xf32>,
      }
      %scan3A_213 = arith.constant 16 : i32
      %mul3A_214 = arith.constant 32 : i32
      %mul3A_215 = arith.muli %scan3A_120, %mul3A_214 : i32
      %add3A_216 = arith.addi %mul3A_215, %add3A : i32
      "tpu.region"() ({
        %run_scoped3A = tpu.sem_alloc : memref<!tpu.dma_semaphore, #tpu.memory_space<semaphore_mem>>
        %dma_start3A_249 = arith.constant 0 : i32
        %dma_start3A_250 = tpu.memref_slice %arg5[%add3A_216, %dma_start3A_249] : memref<832x4096xf32, #tpu.memory_space<hbm>> -> memref<1x4096xf32, #tpu.memory_space<hbm>>
        %dma_start3A_251 = tpu.memref_squeeze %dma_start3A_250 : memref<1x4096xf32, #tpu.memory_space<hbm>> -> memref<4096xf32, #tpu.memory_space<hbm>>
        %dma_start3A_252 = arith.constant 0 : i32
        %dma_start3A_253 = tpu.memref_slice %arg5[%add3A_216, %dma_start3A_252] : memref<832x4096xf32, #tpu.memory_space<hbm>> -> memref<1x4096xf32, #tpu.memory_space<hbm>>
        %dma_start3A_254 = tpu.memref_squeeze %dma_start3A_253 : memref<1x4096xf32, #tpu.memory_space<hbm>> -> memref<4096xf32, #tpu.memory_space<hbm>>
        tpu.enqueue_dma source(%arg10 : memref<4096xf32, #tpu.memory_space<vmem>>) target(%dma_start3A_254 : memref<4096xf32, #tpu.memory_space<hbm>>) target_semaphore(%run_scoped3A : memref<!tpu.dma_semaphore, #tpu.memory_space<semaphore_mem>>)
        %dma_wait3A_255 = arith.constant 0 : i32
        %dma_wait3A_256 = tpu.memref_slice %arg5[%add3A_216, %dma_wait3A_255] : memref<832x4096xf32, #tpu.memory_space<hbm>> -> memref<1x4096xf32, #tpu.memory_space<hbm>>
        %dma_wait3A_257 = tpu.memref_squeeze %dma_wait3A_256 : memref<1x4096xf32, #tpu.memory_space<hbm>> -> memref<4096xf32, #tpu.memory_space<hbm>>
        %dma_wait3A_258 = arith.constant 0 : i32
        %dma_wait3A_259 = tpu.memref_slice %arg5[%add3A_216, %dma_wait3A_258] : memref<832x4096xf32, #tpu.memory_space<hbm>> -> memref<1x4096xf32, #tpu.memory_space<hbm>>
        %dma_wait3A_260 = tpu.memref_squeeze %dma_wait3A_259 : memref<1x4096xf32, #tpu.memory_space<hbm>> -> memref<4096xf32, #tpu.memory_space<hbm>>
        tpu.wait_dma2 semaphore(%run_scoped3A : memref<!tpu.dma_semaphore, #tpu.memory_space<semaphore_mem>>) src(%arg10 : memref<4096xf32, #tpu.memory_space<vmem>>) dst(%dma_wait3A_260 : memref<4096xf32, #tpu.memory_space<hbm>>)
        tpu.yield
      }) : () -> ()
      %dma_start3A_217 = arith.constant 0 : i32
      %dma_start3A_218 = tpu.memref_slice %arg4[%min3A_123, %dma_start3A_217] : memref<26x4096xf32, #tpu.memory_space<hbm>> -> memref<1x4096xf32, #tpu.memory_space<hbm>>
      %dma_start3A_219 = tpu.memref_squeeze %dma_start3A_218 : memref<1x4096xf32, #tpu.memory_space<hbm>> -> memref<4096xf32, #tpu.memory_space<hbm>>
      %dma_start3A_220 = arith.constant 0 : i32
      %dma_start3A_221 = tpu.memref_slice %arg4[%min3A_123, %dma_start3A_220] : memref<26x4096xf32, #tpu.memory_space<hbm>> -> memref<1x4096xf32, #tpu.memory_space<hbm>>
      %dma_start3A_222 = tpu.memref_squeeze %dma_start3A_221 : memref<1x4096xf32, #tpu.memory_space<hbm>> -> memref<4096xf32, #tpu.memory_space<hbm>>
      tpu.enqueue_dma source(%dma_start3A_222 : memref<4096xf32, #tpu.memory_space<hbm>>) target(%arg9 : memref<4096xf32, #tpu.memory_space<vmem>>) target_semaphore(%arg13 : memref<!tpu.dma_semaphore, #tpu.memory_space<semaphore_mem>>)
      %dma_start3A_223 = arith.constant 0 : i32
      %dma_start3A_224 = tpu.memref_slice %arg3[%min3A_123, %add3A, %dma_start3A_223] : memref<26x32x32xf32, #tpu.memory_space<hbm>> -> memref<1x1x32xf32, #tpu.memory_space<hbm>>
      %dma_start3A_225 = tpu.memref_squeeze %dma_start3A_224 : memref<1x1x32xf32, #tpu.memory_space<hbm>> -> memref<32xf32, #tpu.memory_space<hbm>>
      %dma_start3A_226 = arith.constant 0 : i32
      %dma_start3A_227 = tpu.memref_slice %arg3[%min3A_123, %add3A, %dma_start3A_226] : memref<26x32x32xf32, #tpu.memory_space<hbm>> -> memref<1x1x32xf32, #tpu.memory_space<hbm>>
      %dma_start3A_228 = tpu.memref_squeeze %dma_start3A_227 : memref<1x1x32xf32, #tpu.memory_space<hbm>> -> memref<32xf32, #tpu.memory_space<hbm>>
      tpu.enqueue_dma source(%dma_start3A_228 : memref<32xf32, #tpu.memory_space<hbm>>) target(%arg8 : memref<32xf32, #tpu.memory_space<vmem>>) target_semaphore(%arg13 : memref<!tpu.dma_semaphore, #tpu.memory_space<semaphore_mem>>)
      %dma_start3A_229 = arith.constant 0 : i32
      %dma_start3A_230 = tpu.memref_slice %arg7[%dma_start3A_229] : memref<49792xf32, #tpu.memory_space<vmem>> -> memref<25088xf32, #tpu.memory_space<vmem>>
      %dma_start3A_231 = arith.constant 50176 : i32
      %dma_start3A_232 = tpu.memref_slice %arg2[%min3A_123, %add3A, %dma_start3A_231] : memref<26x32x100000xf32, #tpu.memory_space<hbm>> -> memref<1x1x25088xf32, #tpu.memory_space<hbm>>
      %dma_start3A_233 = tpu.memref_squeeze %dma_start3A_232 : memref<1x1x25088xf32, #tpu.memory_space<hbm>> -> memref<25088xf32, #tpu.memory_space<hbm>>
      %dma_start3A_234 = arith.constant 0 : i32
      %dma_start3A_235 = tpu.memref_slice %arg7[%dma_start3A_234] : memref<49792xf32, #tpu.memory_space<vmem>> -> memref<25088xf32, #tpu.memory_space<vmem>>
      %dma_start3A_236 = arith.constant 50176 : i32
      %dma_start3A_237 = tpu.memref_slice %arg2[%min3A_123, %add3A, %dma_start3A_236] : memref<26x32x100000xf32, #tpu.memory_space<hbm>> -> memref<1x1x25088xf32, #tpu.memory_space<hbm>>
      %dma_start3A_238 = tpu.memref_squeeze %dma_start3A_237 : memref<1x1x25088xf32, #tpu.memory_space<hbm>> -> memref<25088xf32, #tpu.memory_space<hbm>>
      tpu.enqueue_dma source(%dma_start3A_238 : memref<25088xf32, #tpu.memory_space<hbm>>) target(%dma_start3A_235 : memref<25088xf32, #tpu.memory_space<vmem>>) target_semaphore(%arg12 : memref<!tpu.dma_semaphore, #tpu.memory_space<semaphore_mem>>)
      %dma_start3A_239 = arith.constant 25088 : i32
      %dma_start3A_240 = tpu.memref_slice %arg7[%dma_start3A_239] : memref<49792xf32, #tpu.memory_space<vmem>> -> memref<24704xf32, #tpu.memory_space<vmem>>
      %dma_start3A_241 = arith.constant 75264 : i32
      %dma_start3A_242 = tpu.memref_slice %arg2[%min3A_123, %add3A, %dma_start3A_241] : memref<26x32x100000xf32, #tpu.memory_space<hbm>> -> memref<1x1x24704xf32, #tpu.memory_space<hbm>>
      %dma_start3A_243 = tpu.memref_squeeze %dma_start3A_242 : memref<1x1x24704xf32, #tpu.memory_space<hbm>> -> memref<24704xf32, #tpu.memory_space<hbm>>
      %dma_start3A_244 = arith.constant 25088 : i32
      %dma_start3A_245 = tpu.memref_slice %arg7[%dma_start3A_244] : memref<49792xf32, #tpu.memory_space<vmem>> -> memref<24704xf32, #tpu.memory_space<vmem>>
      %dma_start3A_246 = arith.constant 75264 : i32
      %dma_start3A_247 = tpu.memref_slice %arg2[%min3A_123, %add3A, %dma_start3A_246] : memref<26x32x100000xf32, #tpu.memory_space<hbm>> -> memref<1x1x24704xf32, #tpu.memory_space<hbm>>
      %dma_start3A_248 = tpu.memref_squeeze %dma_start3A_247 : memref<1x1x24704xf32, #tpu.memory_space<hbm>> -> memref<24704xf32, #tpu.memory_space<hbm>>
      tpu.enqueue_dma source(%dma_start3A_248 : memref<24704xf32, #tpu.memory_space<hbm>>) target(%dma_start3A_245 : memref<24704xf32, #tpu.memory_space<vmem>>) target_semaphore(%arg12 : memref<!tpu.dma_semaphore, #tpu.memory_space<semaphore_mem>>)
    }
    %scan3A_62 = arith.constant 26 : i32
    %dma_wait3A = arith.constant 0 : i32
    %dma_wait3A_63 = arith.constant 0 : i32
    %dma_wait3A_64 = tpu.memref_slice %arg4[%dma_wait3A, %dma_wait3A_63] : memref<26x4096xf32, #tpu.memory_space<hbm>> -> memref<1x4096xf32, #tpu.memory_space<hbm>>
    %dma_wait3A_65 = tpu.memref_squeeze %dma_wait3A_64 : memref<1x4096xf32, #tpu.memory_space<hbm>> -> memref<4096xf32, #tpu.memory_space<hbm>>
    %dma_wait3A_66 = arith.constant 0 : i32
    %dma_wait3A_67 = tpu.memref_slice %arg4[%dma_wait3A, %dma_wait3A_66] : memref<26x4096xf32, #tpu.memory_space<hbm>> -> memref<1x4096xf32, #tpu.memory_space<hbm>>
    %dma_wait3A_68 = tpu.memref_squeeze %dma_wait3A_67 : memref<1x4096xf32, #tpu.memory_space<hbm>> -> memref<4096xf32, #tpu.memory_space<hbm>>
    tpu.wait_dma2 semaphore(%arg13 : memref<!tpu.dma_semaphore, #tpu.memory_space<semaphore_mem>>) src(%dma_wait3A_68 : memref<4096xf32, #tpu.memory_space<hbm>>) dst(%arg9 : memref<4096xf32, #tpu.memory_space<vmem>>)
    %dma_wait3A_69 = arith.constant 0 : i32
    %dma_wait3A_70 = arith.constant 0 : i32
    %dma_wait3A_71 = tpu.memref_slice %arg3[%dma_wait3A_69, %add3A, %dma_wait3A_70] : memref<26x32x32xf32, #tpu.memory_space<hbm>> -> memref<1x1x32xf32, #tpu.memory_space<hbm>>
    %dma_wait3A_72 = tpu.memref_squeeze %dma_wait3A_71 : memref<1x1x32xf32, #tpu.memory_space<hbm>> -> memref<32xf32, #tpu.memory_space<hbm>>
    %dma_wait3A_73 = arith.constant 0 : i32
    %dma_wait3A_74 = tpu.memref_slice %arg3[%dma_wait3A_69, %add3A, %dma_wait3A_73] : memref<26x32x32xf32, #tpu.memory_space<hbm>> -> memref<1x1x32xf32, #tpu.memory_space<hbm>>
    %dma_wait3A_75 = tpu.memref_squeeze %dma_wait3A_74 : memref<1x1x32xf32, #tpu.memory_space<hbm>> -> memref<32xf32, #tpu.memory_space<hbm>>
    tpu.wait_dma2 semaphore(%arg13 : memref<!tpu.dma_semaphore, #tpu.memory_space<semaphore_mem>>) src(%dma_wait3A_75 : memref<32xf32, #tpu.memory_space<hbm>>) dst(%arg8 : memref<32xf32, #tpu.memory_space<vmem>>)
    %dma_wait3A_76 = arith.constant 0 : i32
    %dma_wait3A_77 = arith.constant 0 : i32
    %dma_wait3A_78 = tpu.memref_slice %arg6[%dma_wait3A_77] : memref<50176xf32, #tpu.memory_space<vmem>> -> memref<25088xf32, #tpu.memory_space<vmem>>
    %dma_wait3A_79 = arith.constant 0 : i32
    %dma_wait3A_80 = tpu.memref_slice %arg2[%dma_wait3A_76, %add3A, %dma_wait3A_79] : memref<26x32x100000xf32, #tpu.memory_space<hbm>> -> memref<1x1x25088xf32, #tpu.memory_space<hbm>>
    %dma_wait3A_81 = tpu.memref_squeeze %dma_wait3A_80 : memref<1x1x25088xf32, #tpu.memory_space<hbm>> -> memref<25088xf32, #tpu.memory_space<hbm>>
    %dma_wait3A_82 = arith.constant 0 : i32
    %dma_wait3A_83 = tpu.memref_slice %arg6[%dma_wait3A_82] : memref<50176xf32, #tpu.memory_space<vmem>> -> memref<25088xf32, #tpu.memory_space<vmem>>
    %dma_wait3A_84 = arith.constant 0 : i32
    %dma_wait3A_85 = tpu.memref_slice %arg2[%dma_wait3A_76, %add3A, %dma_wait3A_84] : memref<26x32x100000xf32, #tpu.memory_space<hbm>> -> memref<1x1x25088xf32, #tpu.memory_space<hbm>>
    %dma_wait3A_86 = tpu.memref_squeeze %dma_wait3A_85 : memref<1x1x25088xf32, #tpu.memory_space<hbm>> -> memref<25088xf32, #tpu.memory_space<hbm>>
    tpu.wait_dma2 semaphore(%arg11 : memref<!tpu.dma_semaphore, #tpu.memory_space<semaphore_mem>>) src(%dma_wait3A_86 : memref<25088xf32, #tpu.memory_space<hbm>>) dst(%dma_wait3A_83 : memref<25088xf32, #tpu.memory_space<vmem>>)
    %dma_wait3A_87 = arith.constant 0 : i32
    %dma_wait3A_88 = arith.constant 25088 : i32
    %dma_wait3A_89 = tpu.memref_slice %arg6[%dma_wait3A_88] : memref<50176xf32, #tpu.memory_space<vmem>> -> memref<25088xf32, #tpu.memory_space<vmem>>
    %dma_wait3A_90 = arith.constant 25088 : i32
    %dma_wait3A_91 = tpu.memref_slice %arg2[%dma_wait3A_87, %add3A, %dma_wait3A_90] : memref<26x32x100000xf32, #tpu.memory_space<hbm>> -> memref<1x1x25088xf32, #tpu.memory_space<hbm>>
    %dma_wait3A_92 = tpu.memref_squeeze %dma_wait3A_91 : memref<1x1x25088xf32, #tpu.memory_space<hbm>> -> memref<25088xf32, #tpu.memory_space<hbm>>
    %dma_wait3A_93 = arith.constant 25088 : i32
    %dma_wait3A_94 = tpu.memref_slice %arg6[%dma_wait3A_93] : memref<50176xf32, #tpu.memory_space<vmem>> -> memref<25088xf32, #tpu.memory_space<vmem>>
    %dma_wait3A_95 = arith.constant 25088 : i32
    %dma_wait3A_96 = tpu.memref_slice %arg2[%dma_wait3A_87, %add3A, %dma_wait3A_95] : memref<26x32x100000xf32, #tpu.memory_space<hbm>> -> memref<1x1x25088xf32, #tpu.memory_space<hbm>>
    %dma_wait3A_97 = tpu.memref_squeeze %dma_wait3A_96 : memref<1x1x25088xf32, #tpu.memory_space<hbm>> -> memref<25088xf32, #tpu.memory_space<hbm>>
    tpu.wait_dma2 semaphore(%arg11 : memref<!tpu.dma_semaphore, #tpu.memory_space<semaphore_mem>>) src(%dma_wait3A_97 : memref<25088xf32, #tpu.memory_space<hbm>>) dst(%dma_wait3A_94 : memref<25088xf32, #tpu.memory_space<vmem>>)
    %dma_wait3A_98 = arith.constant 0 : i32
    %dma_wait3A_99 = arith.constant 0 : i32
    %dma_wait3A_100 = tpu.memref_slice %arg7[%dma_wait3A_99] : memref<49792xf32, #tpu.memory_space<vmem>> -> memref<25088xf32, #tpu.memory_space<vmem>>
    %dma_wait3A_101 = arith.constant 50176 : i32
    %dma_wait3A_102 = tpu.memref_slice %arg2[%dma_wait3A_98, %add3A, %dma_wait3A_101] : memref<26x32x100000xf32, #tpu.memory_space<hbm>> -> memref<1x1x25088xf32, #tpu.memory_space<hbm>>
    %dma_wait3A_103 = tpu.memref_squeeze %dma_wait3A_102 : memref<1x1x25088xf32, #tpu.memory_space<hbm>> -> memref<25088xf32, #tpu.memory_space<hbm>>
    %dma_wait3A_104 = arith.constant 0 : i32
    %dma_wait3A_105 = tpu.memref_slice %arg7[%dma_wait3A_104] : memref<49792xf32, #tpu.memory_space<vmem>> -> memref<25088xf32, #tpu.memory_space<vmem>>
    %dma_wait3A_106 = arith.constant 50176 : i32
    %dma_wait3A_107 = tpu.memref_slice %arg2[%dma_wait3A_98, %add3A, %dma_wait3A_106] : memref<26x32x100000xf32, #tpu.memory_space<hbm>> -> memref<1x1x25088xf32, #tpu.memory_space<hbm>>
    %dma_wait3A_108 = tpu.memref_squeeze %dma_wait3A_107 : memref<1x1x25088xf32, #tpu.memory_space<hbm>> -> memref<25088xf32, #tpu.memory_space<hbm>>
    tpu.wait_dma2 semaphore(%arg12 : memref<!tpu.dma_semaphore, #tpu.memory_space<semaphore_mem>>) src(%dma_wait3A_108 : memref<25088xf32, #tpu.memory_space<hbm>>) dst(%dma_wait3A_105 : memref<25088xf32, #tpu.memory_space<vmem>>)
    %dma_wait3A_109 = arith.constant 0 : i32
    %dma_wait3A_110 = arith.constant 25088 : i32
    %dma_wait3A_111 = tpu.memref_slice %arg7[%dma_wait3A_110] : memref<49792xf32, #tpu.memory_space<vmem>> -> memref<24704xf32, #tpu.memory_space<vmem>>
    %dma_wait3A_112 = arith.constant 75264 : i32
    %dma_wait3A_113 = tpu.memref_slice %arg2[%dma_wait3A_109, %add3A, %dma_wait3A_112] : memref<26x32x100000xf32, #tpu.memory_space<hbm>> -> memref<1x1x24704xf32, #tpu.memory_space<hbm>>
    %dma_wait3A_114 = tpu.memref_squeeze %dma_wait3A_113 : memref<1x1x24704xf32, #tpu.memory_space<hbm>> -> memref<24704xf32, #tpu.memory_space<hbm>>
    %dma_wait3A_115 = arith.constant 25088 : i32
    %dma_wait3A_116 = tpu.memref_slice %arg7[%dma_wait3A_115] : memref<49792xf32, #tpu.memory_space<vmem>> -> memref<24704xf32, #tpu.memory_space<vmem>>
    %dma_wait3A_117 = arith.constant 75264 : i32
    %dma_wait3A_118 = tpu.memref_slice %arg2[%dma_wait3A_109, %add3A, %dma_wait3A_117] : memref<26x32x100000xf32, #tpu.memory_space<hbm>> -> memref<1x1x24704xf32, #tpu.memory_space<hbm>>
    %dma_wait3A_119 = tpu.memref_squeeze %dma_wait3A_118 : memref<1x1x24704xf32, #tpu.memory_space<hbm>> -> memref<24704xf32, #tpu.memory_space<hbm>>
    tpu.wait_dma2 semaphore(%arg12 : memref<!tpu.dma_semaphore, #tpu.memory_space<semaphore_mem>>) src(%dma_wait3A_119 : memref<24704xf32, #tpu.memory_space<hbm>>) dst(%dma_wait3A_116 : memref<24704xf32, #tpu.memory_space<vmem>>)
    return
  }
}

module attributes {stable_mosaic.version = 14 : i64} {
  func.func @_mlp_body(%arg0: memref<832x4096xf32, #tpu.memory_space<vmem>>, %arg1: memref<4096x13xf32, #tpu.memory_space<vmem>>, %arg2: memref<832x512xf32, #tpu.memory_space<vmem>>, %arg3: memref<13x512xf32, #tpu.memory_space<vmem>>, %arg4: memref<1x512xf32, #tpu.memory_space<vmem>>, %arg5: memref<512x256xf32, #tpu.memory_space<vmem>>, %arg6: memref<1x256xf32, #tpu.memory_space<vmem>>, %arg7: memref<256x2xf32, #tpu.memory_space<vmem>>, %arg8: memref<1x2xf32, #tpu.memory_space<vmem>>, %arg9: memref<1x13xf32, #tpu.memory_space<vmem>>, %arg10: memref<1x13xf32, #tpu.memory_space<vmem>>, %arg11: memref<1x512xf32, #tpu.memory_space<vmem>>, %arg12: memref<1x512xf32, #tpu.memory_space<vmem>>, %arg13: memref<1x256xf32, #tpu.memory_space<vmem>>, %arg14: memref<1x256xf32, #tpu.memory_space<vmem>>, %arg15: memref<4096x2xf32, #tpu.memory_space<vmem>>) attributes {dimension_semantics = [], scalar_prefetch = 0 : i64, scratch_operands = 0 : i64, tpu.core_type = #tpu.core_type<tc>} {
    %get3A = arith.constant 0 : index
    %get3A_0 = arith.constant 0 : index
    %get3A_1 = vector.load %arg1[%get3A, %get3A_0] : memref<4096x13xf32, #tpu.memory_space<vmem>>, vector<4096x13xf32>
    %get3A_2 = arith.constant 0 : index
    %get3A_3 = arith.constant 0 : index
    %get3A_4 = vector.load %arg9[%get3A_2, %get3A_3] : memref<1x13xf32, #tpu.memory_space<vmem>>, vector<1x13xf32>
    %get3A_5 = arith.constant 0 : index
    %get3A_6 = arith.constant 0 : index
    %get3A_7 = vector.load %arg10[%get3A_5, %get3A_6] : memref<1x13xf32, #tpu.memory_space<vmem>>, vector<1x13xf32>
    %reduce_sum3A = arith.constant dense<0.000000e+00> : vector<13xf32>
    %reduce_sum3A_8 = vector.multi_reduction <add>, %get3A_1, %reduce_sum3A [0] : vector<4096x13xf32> to vector<13xf32>
    %broadcast_in_dim3A = vector.shape_cast %reduce_sum3A_8 : vector<13xf32> to vector<1x13xf32>
    %div3A = arith.constant 4.096000e+03 : f32
    %div3A_9 = vector.broadcast %div3A : f32 to vector<1x13xf32>
    %div3A_10 = arith.divf %broadcast_in_dim3A, %div3A_9 : vector<1x13xf32>
    %sub3A = vector.broadcast %div3A_10 : vector<1x13xf32> to vector<4096x13xf32>
    %sub3A_11 = arith.subf %get3A_1, %sub3A : vector<4096x13xf32>
    %mul3A = arith.mulf %sub3A_11, %sub3A_11 : vector<4096x13xf32>
    %reduce_sum3A_12 = arith.constant dense<0.000000e+00> : vector<13xf32>
    %reduce_sum3A_13 = vector.multi_reduction <add>, %mul3A, %reduce_sum3A_12 [0] : vector<4096x13xf32> to vector<13xf32>
    %broadcast_in_dim3A_14 = vector.shape_cast %reduce_sum3A_13 : vector<13xf32> to vector<1x13xf32>
    %div3A_15 = arith.constant 4.096000e+03 : f32
    %div3A_16 = vector.broadcast %div3A_15 : f32 to vector<1x13xf32>
    %div3A_17 = arith.divf %broadcast_in_dim3A_14, %div3A_16 : vector<1x13xf32>
    %add3A = arith.constant 9.99999974E-6 : f32
    %add3A_18 = vector.broadcast %add3A : f32 to vector<1x13xf32>
    %add3A_19 = arith.addf %div3A_17, %add3A_18 : vector<1x13xf32>
    %rsqrt3A = math.rsqrt %add3A_19 : vector<1x13xf32>
    %mul3A_20 = vector.broadcast %rsqrt3A : vector<1x13xf32> to vector<4096x13xf32>
    %mul3A_21 = arith.mulf %sub3A_11, %mul3A_20 : vector<4096x13xf32>
    %mul3A_22 = vector.broadcast %get3A_4 : vector<1x13xf32> to vector<4096x13xf32>
    %mul3A_23 = arith.mulf %mul3A_21, %mul3A_22 : vector<4096x13xf32>
    %add3A_24 = vector.broadcast %get3A_7 : vector<1x13xf32> to vector<4096x13xf32>
    %add3A_25 = arith.addf %mul3A_23, %add3A_24 : vector<4096x13xf32>
    %get3A_26 = arith.constant 0 : index
    %get3A_27 = arith.constant 0 : index
    %get3A_28 = vector.load %arg0[%get3A_26, %get3A_27] : memref<832x4096xf32, #tpu.memory_space<vmem>>, vector<832x4096xf32>
    %get3A_29 = arith.constant 0 : index
    %get3A_30 = arith.constant 0 : index
    %get3A_31 = vector.load %arg2[%get3A_29, %get3A_30] : memref<832x512xf32, #tpu.memory_space<vmem>>, vector<832x512xf32>
    %dot_general3A = arith.constant dense<0.000000e+00> : vector<4096x512xf32>
    %dot_general3A_32 = tpu.matmul %get3A_28, %get3A_31, %dot_general3A {dimension_numbers = #tpu.dot_dimension_numbers<[0], [0], [1], [1], [0, 1, 1, 1], [], []>, transpose_lhs_hint = false} : vector<832x4096xf32>, vector<832x512xf32>, vector<4096x512xf32> -> vector<4096x512xf32>
    %get3A_33 = arith.constant 0 : index
    %get3A_34 = arith.constant 0 : index
    %get3A_35 = vector.load %arg3[%get3A_33, %get3A_34] : memref<13x512xf32, #tpu.memory_space<vmem>>, vector<13x512xf32>
    %dot_general3A_36 = arith.constant dense<0.000000e+00> : vector<4096x512xf32>
    %dot_general3A_37 = tpu.matmul %add3A_25, %get3A_35, %dot_general3A_36 {dimension_numbers = #tpu.dot_dimension_numbers<[1], [0], [0], [1], [0, 0, 1, 1], [], []>, transpose_lhs_hint = false} : vector<4096x13xf32>, vector<13x512xf32>, vector<4096x512xf32> -> vector<4096x512xf32>
    %add3A_38 = arith.addf %dot_general3A_32, %dot_general3A_37 : vector<4096x512xf32>
    %get3A_39 = arith.constant 0 : index
    %get3A_40 = arith.constant 0 : index
    %get3A_41 = vector.load %arg4[%get3A_39, %get3A_40] : memref<1x512xf32, #tpu.memory_space<vmem>>, vector<1x512xf32>
    %add3A_42 = vector.broadcast %get3A_41 : vector<1x512xf32> to vector<4096x512xf32>
    %add3A_43 = arith.addf %add3A_38, %add3A_42 : vector<4096x512xf32>
    %max3A = arith.constant 0.000000e+00 : f32
    %max3A_44 = vector.broadcast %max3A : f32 to vector<4096x512xf32>
    %max3A_45 = arith.maximumf %add3A_43, %max3A_44 : vector<4096x512xf32>
    %get3A_46 = arith.constant 0 : index
    %get3A_47 = arith.constant 0 : index
    %get3A_48 = vector.load %arg11[%get3A_46, %get3A_47] : memref<1x512xf32, #tpu.memory_space<vmem>>, vector<1x512xf32>
    %get3A_49 = arith.constant 0 : index
    %get3A_50 = arith.constant 0 : index
    %get3A_51 = vector.load %arg12[%get3A_49, %get3A_50] : memref<1x512xf32, #tpu.memory_space<vmem>>, vector<1x512xf32>
    %reduce_sum3A_52 = arith.constant dense<0.000000e+00> : vector<512xf32>
    %reduce_sum3A_53 = vector.multi_reduction <add>, %max3A_45, %reduce_sum3A_52 [0] : vector<4096x512xf32> to vector<512xf32>
    %broadcast_in_dim3A_54 = vector.shape_cast %reduce_sum3A_53 : vector<512xf32> to vector<1x512xf32>
    %div3A_55 = arith.constant 4.096000e+03 : f32
    %div3A_56 = vector.broadcast %div3A_55 : f32 to vector<1x512xf32>
    %div3A_57 = arith.divf %broadcast_in_dim3A_54, %div3A_56 : vector<1x512xf32>
    %sub3A_58 = vector.broadcast %div3A_57 : vector<1x512xf32> to vector<4096x512xf32>
    %sub3A_59 = arith.subf %max3A_45, %sub3A_58 : vector<4096x512xf32>
    %mul3A_60 = arith.mulf %sub3A_59, %sub3A_59 : vector<4096x512xf32>
    %reduce_sum3A_61 = arith.constant dense<0.000000e+00> : vector<512xf32>
    %reduce_sum3A_62 = vector.multi_reduction <add>, %mul3A_60, %reduce_sum3A_61 [0] : vector<4096x512xf32> to vector<512xf32>
    %broadcast_in_dim3A_63 = vector.shape_cast %reduce_sum3A_62 : vector<512xf32> to vector<1x512xf32>
    %div3A_64 = arith.constant 4.096000e+03 : f32
    %div3A_65 = vector.broadcast %div3A_64 : f32 to vector<1x512xf32>
    %div3A_66 = arith.divf %broadcast_in_dim3A_63, %div3A_65 : vector<1x512xf32>
    %add3A_67 = arith.constant 9.99999974E-6 : f32
    %add3A_68 = vector.broadcast %add3A_67 : f32 to vector<1x512xf32>
    %add3A_69 = arith.addf %div3A_66, %add3A_68 : vector<1x512xf32>
    %rsqrt3A_70 = math.rsqrt %add3A_69 : vector<1x512xf32>
    %mul3A_71 = vector.broadcast %rsqrt3A_70 : vector<1x512xf32> to vector<4096x512xf32>
    %mul3A_72 = arith.mulf %sub3A_59, %mul3A_71 : vector<4096x512xf32>
    %mul3A_73 = vector.broadcast %get3A_48 : vector<1x512xf32> to vector<4096x512xf32>
    %mul3A_74 = arith.mulf %mul3A_72, %mul3A_73 : vector<4096x512xf32>
    %add3A_75 = vector.broadcast %get3A_51 : vector<1x512xf32> to vector<4096x512xf32>
    %add3A_76 = arith.addf %mul3A_74, %add3A_75 : vector<4096x512xf32>
    %get3A_77 = arith.constant 0 : index
    %get3A_78 = arith.constant 0 : index
    %get3A_79 = vector.load %arg5[%get3A_77, %get3A_78] : memref<512x256xf32, #tpu.memory_space<vmem>>, vector<512x256xf32>
    %dot_general3A_80 = arith.constant dense<0.000000e+00> : vector<4096x256xf32>
    %dot_general3A_81 = tpu.matmul %add3A_76, %get3A_79, %dot_general3A_80 {dimension_numbers = #tpu.dot_dimension_numbers<[1], [0], [0], [1], [0, 0, 1, 1], [], []>, transpose_lhs_hint = false} : vector<4096x512xf32>, vector<512x256xf32>, vector<4096x256xf32> -> vector<4096x256xf32>
    %get3A_82 = arith.constant 0 : index
    %get3A_83 = arith.constant 0 : index
    %get3A_84 = vector.load %arg6[%get3A_82, %get3A_83] : memref<1x256xf32, #tpu.memory_space<vmem>>, vector<1x256xf32>
    %add3A_85 = vector.broadcast %get3A_84 : vector<1x256xf32> to vector<4096x256xf32>
    %add3A_86 = arith.addf %dot_general3A_81, %add3A_85 : vector<4096x256xf32>
    %max3A_87 = arith.constant 0.000000e+00 : f32
    %max3A_88 = vector.broadcast %max3A_87 : f32 to vector<4096x256xf32>
    %max3A_89 = arith.maximumf %add3A_86, %max3A_88 : vector<4096x256xf32>
    %get3A_90 = arith.constant 0 : index
    %get3A_91 = arith.constant 0 : index
    %get3A_92 = vector.load %arg13[%get3A_90, %get3A_91] : memref<1x256xf32, #tpu.memory_space<vmem>>, vector<1x256xf32>
    %get3A_93 = arith.constant 0 : index
    %get3A_94 = arith.constant 0 : index
    %get3A_95 = vector.load %arg14[%get3A_93, %get3A_94] : memref<1x256xf32, #tpu.memory_space<vmem>>, vector<1x256xf32>
    %reduce_sum3A_96 = arith.constant dense<0.000000e+00> : vector<256xf32>
    %reduce_sum3A_97 = vector.multi_reduction <add>, %max3A_89, %reduce_sum3A_96 [0] : vector<4096x256xf32> to vector<256xf32>
    %broadcast_in_dim3A_98 = vector.shape_cast %reduce_sum3A_97 : vector<256xf32> to vector<1x256xf32>
    %div3A_99 = arith.constant 4.096000e+03 : f32
    %div3A_100 = vector.broadcast %div3A_99 : f32 to vector<1x256xf32>
    %div3A_101 = arith.divf %broadcast_in_dim3A_98, %div3A_100 : vector<1x256xf32>
    %sub3A_102 = vector.broadcast %div3A_101 : vector<1x256xf32> to vector<4096x256xf32>
    %sub3A_103 = arith.subf %max3A_89, %sub3A_102 : vector<4096x256xf32>
    %mul3A_104 = arith.mulf %sub3A_103, %sub3A_103 : vector<4096x256xf32>
    %reduce_sum3A_105 = arith.constant dense<0.000000e+00> : vector<256xf32>
    %reduce_sum3A_106 = vector.multi_reduction <add>, %mul3A_104, %reduce_sum3A_105 [0] : vector<4096x256xf32> to vector<256xf32>
    %broadcast_in_dim3A_107 = vector.shape_cast %reduce_sum3A_106 : vector<256xf32> to vector<1x256xf32>
    %div3A_108 = arith.constant 4.096000e+03 : f32
    %div3A_109 = vector.broadcast %div3A_108 : f32 to vector<1x256xf32>
    %div3A_110 = arith.divf %broadcast_in_dim3A_107, %div3A_109 : vector<1x256xf32>
    %add3A_111 = arith.constant 9.99999974E-6 : f32
    %add3A_112 = vector.broadcast %add3A_111 : f32 to vector<1x256xf32>
    %add3A_113 = arith.addf %div3A_110, %add3A_112 : vector<1x256xf32>
    %rsqrt3A_114 = math.rsqrt %add3A_113 : vector<1x256xf32>
    %mul3A_115 = vector.broadcast %rsqrt3A_114 : vector<1x256xf32> to vector<4096x256xf32>
    %mul3A_116 = arith.mulf %sub3A_103, %mul3A_115 : vector<4096x256xf32>
    %mul3A_117 = vector.broadcast %get3A_92 : vector<1x256xf32> to vector<4096x256xf32>
    %mul3A_118 = arith.mulf %mul3A_116, %mul3A_117 : vector<4096x256xf32>
    %add3A_119 = vector.broadcast %get3A_95 : vector<1x256xf32> to vector<4096x256xf32>
    %add3A_120 = arith.addf %mul3A_118, %add3A_119 : vector<4096x256xf32>
    %get3A_121 = arith.constant 0 : index
    %get3A_122 = arith.constant 0 : index
    %get3A_123 = vector.load %arg7[%get3A_121, %get3A_122] : memref<256x2xf32, #tpu.memory_space<vmem>>, vector<256x2xf32>
    %dot_general3A_124 = arith.constant dense<0.000000e+00> : vector<4096x2xf32>
    %dot_general3A_125 = tpu.matmul %add3A_120, %get3A_123, %dot_general3A_124 {dimension_numbers = #tpu.dot_dimension_numbers<[1], [0], [0], [1], [0, 0, 1, 1], [], []>, transpose_lhs_hint = false} : vector<4096x256xf32>, vector<256x2xf32>, vector<4096x2xf32> -> vector<4096x2xf32>
    %get3A_126 = arith.constant 0 : index
    %get3A_127 = arith.constant 0 : index
    %get3A_128 = vector.load %arg8[%get3A_126, %get3A_127] : memref<1x2xf32, #tpu.memory_space<vmem>>, vector<1x2xf32>
    %add3A_129 = vector.broadcast %get3A_128 : vector<1x2xf32> to vector<4096x2xf32>
    %add3A_130 = arith.addf %dot_general3A_125, %add3A_129 : vector<4096x2xf32>
    %swap3A = arith.constant 0 : index
    %swap3A_131 = arith.constant 0 : index
    %swap3A_132 = vector.load %arg15[%swap3A, %swap3A_131] : memref<4096x2xf32, #tpu.memory_space<vmem>>, vector<4096x2xf32>
    tpu.vector_store %arg15[%swap3A, %swap3A_131], %add3A_130 {strides = array<i32>} : memref<4096x2xf32, #tpu.memory_space<vmem>>, vector<4096x2xf32>,
    return
  }
}

</mosaic_0001>

<sc_bundles>
// kernel: kernel.4.cloned.1.call-start
scs
__scs_entry_jumppad:
0x0: {  	(pc) =	sbr.rel $0x88, $3  }
0x1: {  	(tag) =	ssettag $0x0;
	lr =	simm.s32 $0x1  }
0x2: {  	[smem:$0x3F93] =	sst lr;
	_ =	strace $0xD0000000  }
0x3: {  	_ = 	snop  }
0x4: {  	_ = 	snop  }
0x5: {  	_ = 	snop  }
0x6: {  	_ = 	snop  }
0x7: {  	_ = 	snop  }
__scs_overlays_trampoline_lowered:
0x8: {  	[smem:$0x3FA2] =	sst s0  }
0x9: {  	[smem:$0x3FA3] =	sst s1  }
0xa: {  	[smem:$0x3FA4] =	sst s2  }
0xb: {  	[smem:$0x3FA5] =	sst s3  }
0xc: {  	[smem:$0x3FA6] =	sst s4  }
0xd: {  	[smem:$0x3FA7] =	sst s5  }
0xe: {  	[smem:$0x3FA8] =	sst s6  }
0xf: {  	[smem:$0x3FA9] =	sst s7  }
0x10: {  	[smem:$0x3FAA] =	sst s8  }
0x11: {  	[smem:$0x3FAB] =	sst s9;
	s0 =	simm.s32 @!p0 $0x0  }
0x12: {  	s1 =	sld [smem:$0x3F91];
	s0 =	simm.s32 @p0 $0x1  }
0x13: {  	[smem:$0x3FAC] =	sst s0;
	s0 =	simm.s32 @!p1 $0x0  }
0x14: {  	s2 =	sld [smem:$0x3F90];
	s0 =	simm.s32 @p1 $0x1  }
0x15: {  	[smem:$0x3FAD] =	sst s0;
	s0 =	simm.s32 @!p2 $0x0  }
0x16: {  	s3 =	sld [smem:$0x3FDB];
	s0 =	simm.s32 @p2 $0x1  }
0x17: {  	s4 =	simm.s32 $0x1BF5;
	[smem:$0x3FAF] =	sst s0  }
0x18: {  	s0 =	sld [smem:$0x3F92];
	_ =	swait.ge [sflag:s4], $0x0  }
0x19: {  	s7 =	sld [smem:$0x3F93]  }
0x1a: {  	s8 =	sadd.s32 $0xFFFFE003, lr  }
0x1b: {  	s9 =	sadd.s32 $0xFFFFFEF7, lr;
	s5 =	simm.s32 $0xFFFFFFFF;
	p2 =	slt.u32 s8, $0xFFFFF086  }
0x1c: {  	p1 =	slt.u32 s9, $0xF7A;
	s5 =	simm.s32 @!p2 $0x0  }
0x1d: {  	s5 =	simm.s32 @p1 $0x1;
	p0 =	seq.s32 s7, s2  }
0x1e: {  	s7 =	smul.u32 @!p0 $0xF7A, s2;
	p2 =	seq.s32 @!p0 s5, $0x0  }
0x1f: {  	s9 =	smul.u32 $0xF7A, s1;
	s8 =	simm.s32 @!p0 $0x1BF5;
	p2 =	por !p2, p0  }
0x20: {  	[sflag:s8] =	ssyncset.s32 @!p0 $0xFFFFF086;
	s6 =	sadd.s32 @!p0 s3, s7;
	s7 =	simm.s32 @!p0 $0x108  }
0x21: {  	s3 =	sadd.s32 s3, s9;
	s6 =	sadd.s32 @!p0 $0x88, s6;
	s7 =	simm.s32 @p2 $0x1082  }
0x22: {  	[simem:s7], [sflag:s8] =	dma.local @!p0 [hbm:s6], $0xF7A  }
0x23: {  	s9 =	sor.u32 $0xD0000000, s2;
	s6 =	simm.s32 $0x108;
	_ =	swait.ge @!p0 [sflag:s8], $0x0  }
0x24: {  	s3 =	sadd.s32 $0x88, s3;
	s6 =	simm.s32 @!p1 $0x1082;
	[sflag:s4] =	ssyncset.s32 $0xFFFFF086  }
0x25: {  	[simem:s6], [sflag:s4] =	dma.local [hbm:s3], $0xF7A  }
0x26: {  	[smem:$0x3F93] =	sst s1;
	(tag) =	ssettag s2;
	_ =	strace s9  }
0x27: {  	s1 =	sld [smem:$0x3FA3]  }
0x28: {  	s2 =	sld [smem:$0x3FA4]  }
0x29: {  	s4 =	sld [smem:$0x3FA6]  }
0x2a: {  	p0 =	seq.s32 s5, $0x0;
	s5 =	sld [smem:$0x3FA7]  }
0x2b: {  	s6 =	sld [smem:$0x3FA8]  }
0x2c: {  	s7 =	sld [smem:$0x3FA9]  }
0x2d: {  	s3 =	simm.s32 $0x108;
	s8 =	sld [smem:$0x3FAA]  }
0x2e: {  	s3 =	simm.s32 @!p0 $0x1082;
	s9 =	sld [smem:$0x3FAB]  }
0x2f: {  	lr =	sadd.s32 s0, s3;
	s0 =	sld [smem:$0x3FA2]  }
0x30: {  	s3 =	sld [smem:$0x3FA5]  }
0x31: {  	[smem:$0x3FAE] =	sst s10  }
0x32: {  	s10 =	sld [smem:$0x3FAC];
	_ =	sdelay $0x3  }
0x33: {  	p0 =	seq.s32 s10, $0x1;
	s10 =	sld [smem:$0x3FAE];
	_ =	sdelay $0x3  }
0x34: {  	[smem:$0x3FAE] =	sst s10  }
0x35: {  	s10 =	sld [smem:$0x3FAD];
	_ =	sdelay $0x3  }
0x36: {  	p1 =	seq.s32 s10, $0x1;
	s10 =	sld [smem:$0x3FAE];
	_ =	sdelay $0x3  }
0x37: {  	[smem:$0x3FAE] =	sst s10  }
0x38: {  	s10 =	sld [smem:$0x3FAF]  }
0x39: {  	_ = 	snop;
	(pc) =	sbr.ind lr, $3  }
0x3a: {  	_ = 	snop  }
0x3b: {  	_ = 	snop  }
0x3c: {  	p2 =	seq.s32 s10, $0x1;
	s10 =	sld [smem:$0x3FAE]  }
0x3d: {  	_ =	shalt  }
0x3e: {  	_ =	shalt  }
0x3f: {  	_ =	shalt  }
0x40: {  	_ =	shalt  }
0x41: {  	_ =	shalt  }
0x42: {  	_ =	shalt  }
0x43: {  	_ =	shalt  }
0x44: {  	_ =	shalt  }
0x45: {  	_ =	shalt  }
0x46: {  	_ =	shalt  }
0x47: {  	_ =	shalt  }
0x48: {  	_ =	shalt  }
0x49: {  	_ =	shalt  }
0x4a: {  	_ =	shalt  }
0x4b: {  	_ =	shalt  }
0x4c: {  	_ =	shalt  }
0x4d: {  	_ =	shalt  }
0x4e: {  	_ =	shalt  }
0x4f: {  	_ =	shalt  }
0x50: {  	_ =	shalt  }
0x51: {  	_ =	shalt  }
0x52: {  	_ =	shalt  }
0x53: {  	_ =	shalt  }
0x54: {  	_ =	shalt  }
0x55: {  	_ =	shalt  }
0x56: {  	_ =	shalt  }
0x57: {  	_ =	shalt  }
0x58: {  	_ =	shalt  }
0x59: {  	_ =	shalt  }
0x5a: {  	_ =	shalt  }
0x5b: {  	_ =	shalt  }
0x5c: {  	_ =	shalt  }
0x5d: {  	_ =	shalt  }
0x5e: {  	_ =	shalt  }
0x5f: {  	_ =	shalt  }
0x60: {  	_ =	shalt  }
0x61: {  	_ =	shalt  }
0x62: {  	_ =	shalt  }
0x63: {  	_ =	shalt  }
0x64: {  	_ =	shalt  }
0x65: {  	_ =	shalt  }
0x66: {  	_ =	shalt  }
0x67: {  	_ =	shalt  }
0x68: {  	_ =	shalt  }
0x69: {  	_ =	shalt  }
0x6a: {  	_ =	shalt  }
0x6b: {  	_ =	shalt  }
0x6c: {  	_ =	shalt  }
0x6d: {  	_ =	shalt  }
0x6e: {  	_ =	shalt  }
0x6f: {  	_ =	shalt  }
0x70: {  	_ =	shalt  }
0x71: {  	_ =	shalt  }
0x72: {  	_ =	shalt  }
0x73: {  	_ =	shalt  }
0x74: {  	_ =	shalt  }
0x75: {  	_ =	shalt  }
0x76: {  	_ =	shalt  }
0x77: {  	_ =	shalt  }
0x78: {  	_ =	shalt  }
0x79: {  	_ =	shalt  }
0x7a: {  	_ =	shalt  }
0x7b: {  	_ =	shalt  }
0x7c: {  	_ =	shalt  }
0x7d: {  	_ =	shalt  }
0x7e: {  	_ =	shalt  }
0x7f: {  	_ =	shalt  }
0x80: {  	_ =	shalt  }
0x81: {  	_ =	shalt  }
0x82: {  	_ =	shalt  }
0x83: {  	_ =	shalt  }
0x84: {  	_ =	shalt  }
0x85: {  	_ =	shalt  }
0x86: {  	_ =	shalt  }
0x87: {  	_ =	shalt  }
.Lfunc_end0:
.L_simem_size_0:
called_computation_lowered:
.L_overlay_start_0:
0x88: {  	s2 =	sld [smem:$0x3FD9]  }
0x89: {  	s3 =	sld [smem:$0x3FFE];
	_ =	sdelay $0x1  }
0x8a: {  	s1 =	srdreg.scid  }
0x8b: {  	s0 =	sand.u32 $0x1, s1  }
0x8c: {  	s17 =	sshll.u32 s0, $0xA;
	s2 =	sadd.s32 s3, s2  }
0x8d: {  	s2 =	sadd.s32 s2, s17  }
0x8e: {  	[smem:$0x3FBA] =	sst s2  }
0x8f: {  	_ = 	snop  }
0x90: {  	s2 =	sld [smem:$0x3FC8];
	(tm) =	ssettm $0x1  }
0x91: {  	s18 =	sld [smem:$0x3FFB];
	_ =	sdelay $0x3  }
0x92: {  	_ =	strace s18  }
0x93: {  	s3 =	sld [smem:$0x3FFC];
	_ =	sdelay $0x3  }
0x94: {  	_ =	strace s3  }
0x95: {  	s3 =	sld [smem:$0x3FFD];
	_ =	sdelay $0x3  }
0x96: {  	_ =	strace s3  }
0x97: {  	_ =	strace $0x8FFFFFFF  }
0x98: {  	s19 =	sld [smem:$0x3FDB];
	_ =	sdelay $0x1  }
0x99: {  	s4 =	simm.s32 $_scs_section_size  }
0x9a: {  	s5 =	simm.s32 $_size__tile_overlayer_lowered;
	s6 =	simm.s32 $_tile_overlayer_lowered  }
0x9b: {  	s22 =	simm.s32 $0x1BFF;
	s21 =	sshll.u32 s6, $0x1;
	s3 =	sadd.s32 s4, s19  }
0x9c: {  	s7 =	simm.s32 $0x0;
	s20 =	sshll.u32 s5, $0x1;
	s5 =	sadd.s32 s21, s3  }
0x9d: {  	[timem:s7], [sflag:s22] =	dma.local [hbm:s5], s20  }
0x9e: {  	_ =	swait.ge [sflag:s22], s20  }
0x9f: {  	s4 =	ssub.s32 $0x0, s20;
	[sflag:s22] =	ssyncset.done $0x0  }
0xa0: {  	[sflag:s22] =	ssyncadd.s32 s4;
	_ =	sdelay $0x1  }
0xa1: {  	s23 =	simm.s32 $0x1B8B  }
0xa2: {  	_ =	swait.ge [sflag:s23], $0x1  }
0xa3: {  	[sflag:s23] =	ssyncset.done $0x0  }
0xa4: {  	s25 =	simm.s32 $0x1B8E;
	s24 =	sld [smem:$0x3FFE];
	[sflag:s23] =	ssyncadd.s32 $0xFFFFFFFF  }
0xa5: {  	s26 =	simm.s32 $execute0_lowered;
	[smem:$0x3FD2] =	sst s25  }
0xa6: {  	s5 =	sshll.u32 s26, $0x1;
	_ =	strace $0x80000046;
	[dreg:$0x1] =	wrdreg $0xFFFFFFFF  }
0xa7: {  	s28 =	simm.s32 $_size_execute0_lowered;
	s3 =	sadd.s32 s3, s5;
	[dreg:$0x0] =	wrdreg $0x0  }
0xa8: {  	s5 =	sshll.u32 s28, $0x1;
	[dreg:$0x2] =	wrdreg s3  }
0xa9: {  	[dreg:$0x3] =	wrdreg s5  }
0xaa: {  	[dreg:$0x4] =	wrdreg $0xC0  }
0xab: {  	_ =	task [dreg:s7], $0x5FFFF  }
0xac: {  	[dreg:$0x1] =	wrdreg $0xFFFFFFFF  }
0xad: {  	[dreg:$0x0] =	wrdreg $0x60  }
0xae: {  	[dreg:$0x2] =	wrdreg s2  }
0xaf: {  	[dreg:$0x3] =	wrdreg s24  }
0xb0: {  	[dreg:$0x4] =	wrdreg $0x9  }
0xb1: {  	_ =	task.clear_ibuf [dreg:s7], $0x5FFFF;
	_ =	strace $0x90000046  }
0xb2: {  	s29 =	simm.s32 $0x9;
	_ =	strace $0x80000048  }
0xb3: {  	_ =	swait.ge [sflag:s29], $0x1  }
0xb4: {  	[sflag:s29] =	ssyncadd.s32 $0xFFFFFFFF  }
0xb5: {  	_ =	strace $0x90000048  }
0xb6: {  	_ =	sfence  }
0xb7: {  	s30 =	sld [smem:$0x0];
	_ =	sdelay $0x2  }
0xb8: {  	s31 =	sshll.u32 s1, $0xD;
	s1 =	sshrl.u32 s1, $0x2  }
0xb9: {  	s3 =	sand.u32 $0x4000, s31;
	s1 =	sadd.s32 s1, s30  }
0xba: {  	s0 =	sor.u32 s3, s0;
	s1 =	sshll.u32 s1, $0x11  }
0xbb: {  	s0 =	sor.u32 s1, s0  }
0xbc: {  	s0 =	sadd.s32 $0x8F2B, s0  }
0xbd: {  	[sflag:s0] =	ssyncadd.remote.s32 $0x1  }
0xbe: {  	_ =	sfence.sel $0xFFFF  }
0xbf: {  	[dreg:$0x0] =	wrdreg $0xFFFFFFFF;
	(pc) =	sbr.abs _section_cstart, $3  }
0xc0: {  	[dreg:$0x1] =	wrdreg $0xFFFFFFFF  }
0xc1: {  	_ =	task.clear_ibuf [dreg:s7], $0x2FFFF;
	_ =	strace $0x9FFFFFFF  }
0xc2: {  	(tm) =	ssettm $0x7FFFFFFF  }
0xc3: {  	_ =	shalt  }
tec
execute0_lowered:
.L_overlay_start_1:
0x0: {  	(tag) =	ssettag $0x1  }
0x1: {  	s1 =	rddreg [dreg:$0x0]  }
0x2: {  	s0 =	rddreg [dreg:$0x1]  }
0x3: {  	s3 =	simm.s32 $0x0;
	s9 =	stileid.u32;
	s2 =	srdreg.scid  }
0x4: {  	s19 =	simm.s32 $0x80;
	s28 =	simm.s32 $0x1;
	s29 =	simm.s32 $0x2  }
0x5: {  	s30 =	simm.s32 $0x19700;
	s31 =	simm.s32 $0x4;
	[smem:$0x7FF] =	sst s3  }
0x6: {  	s4 =	sadd.s32 $0x1E00, s0;
	s5 =	sadd.s32 $0x5200, s0;
	s2 =	sand.u32 $0x1, s2  }
0x7: {  	s6 =	sshll.u32 s9, $0x1;
	s7 =	sshll.u32 s9, $0xA;
	s9 =	sshrl.u32 s9, $0x2  }
0x8: {  	_ =	strace $0x80000047;
	s8 =	sor.u32 s2, s6;
	s2 =	ssub.s32 $0x2, s2  }
0x9: {  	s6 =	smul.u32 $0xC3800, s9;
	s11 =	sand.u32 $0x3000, s7;
	s9 =	sshll.u32 s9, $0xA  }
0xa: {  	s10 =	sshll.u32 s8, $0x7;
	s12 =	sshrl.u32 s2, $0x1;
	s0 =	sadd.s32 s11, s0  }
0xb: {  	s8 =	sshll.u32 s8, $0x4;
	s7 =	sand.u32 $0x380, s10;
	s2 =	ssub.s32 s2, s12  }
0xc: {  	s8 =	sand.u32 $0x70, s8;
	s10 =	sor.u32 s6, s7;
	s9 =	sor.u32 s9, s7  }
0xd: {  	s14 =	sor.u32 $0x31000, s7;
	s15 =	sor.u32 $0x62000, s7;
	s16 =	sor.u32 $0x93000, s7  }
0xe: {  	s0 =	sadd.s32 s8, s0;
	s26 =	smax.u32 s2, $0x1;
	s2 =	simm.s32 $0x0  }
0xf: {  	s20 =	sshrl.u32 s10, $0x3;
	s21 =	sadd.s32 $0x31000, s10;
	s23 =	sshrl.u32 s9, $0x3  }
0x10: {  	s24 =	sadd.s32 $0x62000, s10;
	s10 =	sadd.s32 $0x93000, s10;
	s17 =	sadd.s32 $0x9200, s0  }
0x11: {  	[dreg:$0x8] =	wrdreg s26;
	s26 =	simm.s32 $0x3;
	s11 =	sadd.s32 s1, s20  }
0x12: {  	s22 =	sshrl.u32 s21, $0x3;
	s25 =	sshrl.u32 s24, $0x3;
	s10 =	sshrl.u32 s10, $0x3  }
0x13: {  	s20 =	simm.s32 $0x400;
	[dreg:$0x3] =	wrdreg s11;
	s11 =	sadd.s32 s1, s22  }
0x14: {  	s21 =	simm.s32 $0x6200;
	s10 =	sadd.s32 s1, s10;
	[dreg:$0x4] =	wrdreg s11  }
0x15: {  	s24 =	simm.s32 $0xC400;
	s11 =	sadd.s32 s4, s23;
	[dreg:$0x7] =	wrdreg s10  }
0x16: {  	s22 =	simm.s32 $0x18700;
	[dreg:$0x5] =	wrdreg s11;
	s11 =	sadd.s32 s1, s25  }
0x17: {  	s23 =	simm.s32 $0x18680;
	s25 =	simm.s32 $0x12600;
	[dreg:$0x6] =	wrdreg s11  }
.LBB2_1:
0x18: {  	s0 =	rddreg [dreg:$0x3]  }
0x19: {  	[tilespmem:s3], [sflag:$0x1] =	stream.strided.gather [hbm4b:s0+s19], $0x6200, s20, s19, $0x38;
	[tilespmem:$0x1A700] =	vst v63  }
0x1a: {  	s11 =	rddreg [dreg:$0x4]  }
0x1b: {  	[tilespmem:s21], [sflag:$0x1] =	stream.strided.gather [hbm4b:s11+s19], $0x6200, s20, s19, $0x38;
	[tilespmem:$0x1A700] =	vst v63  }
0x1c: {  	[dreg:$0x9] =	wrdreg s2  }
0x1d: {  	[tilespmem:s22], [sflag:$0x3] =	stream.strided.gather [hbm4b:s5+s19], $0x1000, s20, s19, $0x38;
	[tilespmem:$0x1A700] =	vst v63  }
0x1e: {  	s12 =	rddreg [dreg:$0x5]  }
0x1f: {  	[tilespmem:s23], [sflag:$0x3] =	stream.linear.gather [hbm4b:s12+s3], $0x80, $0x38;
	[tilespmem:$0x1A700] =	vst v63  }
0x20: {  	s13 =	rddreg [dreg:$0x6]  }
0x21: {  	[tilespmem:s24], [sflag:$0x2] =	stream.strided.gather [hbm4b:s13+s19], $0x6200, s20, s19, $0x38;
	[tilespmem:$0x1A700] =	vst v63  }
0x22: {  	s18 =	rddreg [dreg:$0x7];
	s8 =	simm.s32 $0x0  }
0x23: {  	[tilespmem:s25], [sflag:$0x2] =	stream.strided.gather [hbm4b:s18+s19], $0x6080, s20, s19, $0x38;
	[tilespmem:$0x1A700] =	vst v63  }
.LBB2_2:
0x24: {  	_ =	swait.ge [sflag:s26], $0x1000  }
0x25: {  	[sflag:s26] =	ssyncset.done $0x0  }
0x26: {  	[sflag:s26] =	ssyncadd.s32 $0xFFFFF000  }
0x27: {  	_ =	swait.ge [sflag:s26], $0x80  }
0x28: {  	[sflag:s26] =	ssyncset.done $0x0  }
0x29: {  	[sflag:s26] =	ssyncadd.s32 $0xFFFFFF80  }
0x2a: {  	_ =	swait.ge [sflag:s28], $0x6200  }
0x2b: {  	[sflag:s28] =	ssyncset.done $0x0  }
0x2c: {  	[sflag:s28] =	ssyncadd.s32 $0xFFFF9E00  }
0x2d: {  	_ =	swait.ge [sflag:s28], $0x6200  }
0x2e: {  	[sflag:s28] =	ssyncset.done $0x0  }
0x2f: {  	s0 =	simm.s32 $0x0;
	[sflag:s28] =	ssyncadd.s32 $0xFFFF9E00  }
0x30: {  	v0 =	vld [tilespmem:s0+$0x18700];
	_ =	sdelay $0x4  }
0x31: {  	v0 =	vtrunc.f32 v0  }
0x32: {  	v1 =	vld [tilespmem:s0+$0x18710];
	v0 =	vcvt.f32.s32 v0;
	_ =	sdelay $0x1  }
0x33: {  	vm0 =	vlt.s32 v0, $0xC3FF  }
0x34: {  	v0 =	vnsel vm0, $0xC3FF, v0;
	_ =	sdelay $0x1  }
0x35: {  	v1 =	vtrunc.f32 v1  }
0x36: {  	v1 =	vcvt.f32.s32 v1  }
0x37: {  	v2 =	vld [tilespmem:s0+$0x18720]  }
0x38: {  	vm14 =	vlt.s32 v1, $0xC3FF;
	v0 =	vld.idx.msk [tilespmem:v0+s3+$0x0], $0xffff  }
0x39: {  	v1 =	vnsel vm14, $0xC3FF, v1;
	_ =	sdelay $0x2  }
0x3a: {  	v2 =	vtrunc.f32 v2  }
0x3b: {  	[tilespmem:s0+$0x19700] =	vst v0;
	v0 =	vcvt.f32.s32 v2;
	v2 =	vld [tilespmem:s0+$0x18730]  }
0x3c: {  	v1 =	vld.idx.msk [tilespmem:v1+s3+$0x0], $0xffff  }
0x3d: {  	vm15 =	vlt.s32 v0, $0xC3FF  }
0x3e: {  	v0 =	vnsel vm15, $0xC3FF, v0;
	_ =	sdelay $0x1  }
0x3f: {  	v2 =	vtrunc.f32 v2  }
0x40: {  	[tilespmem:s0+$0x19710] =	vst v1;
	v1 =	vcvt.f32.s32 v2  }
0x41: {  	v2 =	vld [tilespmem:s0+$0x18740]  }
0x42: {  	v0 =	vld.idx.msk [tilespmem:v0+s3+$0x0], $0xffff;
	vm4 =	vlt.s32 v1, $0xC3FF  }
0x43: {  	v1 =	vnsel vm4, $0xC3FF, v1;
	_ =	sdelay $0x2  }
0x44: {  	v2 =	vtrunc.f32 v2  }
0x45: {  	[tilespmem:s0+$0x19720] =	vst v0;
	v0 =	vcvt.f32.s32 v2;
	v2 =	vld [tilespmem:s0+$0x18750]  }
0x46: {  	v1 =	vld.idx.msk [tilespmem:v1+s3+$0x0], $0xffff  }
0x47: {  	vm5 =	vlt.s32 v0, $0xC3FF  }
0x48: {  	v0 =	vnsel vm5, $0xC3FF, v0;
	_ =	sdelay $0x1  }
0x49: {  	v2 =	vtrunc.f32 v2  }
0x4a: {  	[tilespmem:s0+$0x19730] =	vst v1;
	v1 =	vcvt.f32.s32 v2  }
0x4b: {  	v2 =	vld [tilespmem:s0+$0x18760]  }
0x4c: {  	v0 =	vld.idx.msk [tilespmem:v0+s3+$0x0], $0xffff;
	vm6 =	vlt.s32 v1, $0xC3FF  }
0x4d: {  	v1 =	vnsel vm6, $0xC3FF, v1;
	_ =	sdelay $0x2  }
0x4e: {  	v2 =	vtrunc.f32 v2  }
0x4f: {  	[tilespmem:s0+$0x19740] =	vst v0;
	v0 =	vcvt.f32.s32 v2;
	v2 =	vld [tilespmem:s0+$0x18770]  }
0x50: {  	v1 =	vld.idx.msk [tilespmem:v1+s3+$0x0], $0xffff  }
0x51: {  	vm7 =	vlt.s32 v0, $0xC3FF  }
0x52: {  	v0 =	vnsel vm7, $0xC3FF, v0;
	_ =	sdelay $0x1  }
0x53: {  	v2 =	vtrunc.f32 v2  }
0x54: {  	[tilespmem:s0+$0x19750] =	vst v1;
	v1 =	vcvt.f32.s32 v2  }
0x55: {  	v2 =	vld [tilespmem:s0+$0x18780]  }
0x56: {  	v0 =	vld.idx.msk [tilespmem:v0+s3+$0x0], $0xffff;
	vm8 =	vlt.s32 v1, $0xC3FF  }
0x57: {  	v1 =	vnsel vm8, $0xC3FF, v1;
	_ =	sdelay $0x2  }
0x58: {  	v2 =	vtrunc.f32 v2  }
0x59: {  	[tilespmem:s0+$0x19760] =	vst v0;
	v0 =	vcvt.f32.s32 v2;
	v2 =	vld [tilespmem:s0+$0x18790]  }
0x5a: {  	v1 =	vld.idx.msk [tilespmem:v1+s3+$0x0], $0xffff  }
0x5b: {  	vm9 =	vlt.s32 v0, $0xC3FF  }
0x5c: {  	v0 =	vnsel vm9, $0xC3FF, v0;
	_ =	sdelay $0x1  }
0x5d: {  	v2 =	vtrunc.f32 v2  }
0x5e: {  	[tilespmem:s0+$0x19770] =	vst v1;
	v1 =	vcvt.f32.s32 v2  }
0x5f: {  	v2 =	vld [tilespmem:s0+$0x187A0]  }
0x60: {  	v0 =	vld.idx.msk [tilespmem:v0+s3+$0x0], $0xffff;
	vm10 =	vlt.s32 v1, $0xC3FF  }
0x61: {  	v1 =	vnsel vm10, $0xC3FF, v1;
	_ =	sdelay $0x2  }
0x62: {  	v2 =	vtrunc.f32 v2  }
0x63: {  	[tilespmem:s0+$0x19780] =	vst v0;
	v0 =	vcvt.f32.s32 v2;
	v2 =	vld [tilespmem:s0+$0x187B0]  }
0x64: {  	v1 =	vld.idx.msk [tilespmem:v1+s3+$0x0], $0xffff  }
0x65: {  	vm11 =	vlt.s32 v0, $0xC3FF  }
0x66: {  	v0 =	vnsel vm11, $0xC3FF, v0;
	_ =	sdelay $0x1  }
0x67: {  	v2 =	vtrunc.f32 v2  }
0x68: {  	[tilespmem:s0+$0x19790] =	vst v1;
	v1 =	vcvt.f32.s32 v2  }
0x69: {  	v2 =	vld [tilespmem:s0+$0x187C0]  }
0x6a: {  	v0 =	vld.idx.msk [tilespmem:v0+s3+$0x0], $0xffff;
	vm12 =	vlt.s32 v1, $0xC3FF  }
0x6b: {  	v1 =	vnsel vm12, $0xC3FF, v1;
	_ =	sdelay $0x2  }
0x6c: {  	v2 =	vtrunc.f32 v2  }
0x6d: {  	[tilespmem:s0+$0x197A0] =	vst v0;
	v0 =	vcvt.f32.s32 v2;
	v2 =	vld [tilespmem:s0+$0x187D0]  }
0x6e: {  	v1 =	vld.idx.msk [tilespmem:v1+s3+$0x0], $0xffff  }
0x6f: {  	vm13 =	vlt.s32 v0, $0xC3FF  }
0x70: {  	v0 =	vnsel vm13, $0xC3FF, v0;
	_ =	sdelay $0x1  }
0x71: {  	v2 =	vtrunc.f32 v2  }
0x72: {  	[tilespmem:s0+$0x197B0] =	vst v1;
	v1 =	vcvt.f32.s32 v2;
	_ =	sdelay $0x1  }
0x73: {  	v0 =	vld.idx.msk [tilespmem:v0+s3+$0x0], $0xffff;
	vm14 =	vlt.s32 v1, $0xC3FF  }
0x74: {  	v2 =	vld [tilespmem:s0+$0x187E0];
	v1 =	vnsel vm14, $0xC3FF, v1;
	_ =	sdelay $0x3  }
0x75: {  	[tilespmem:s0+$0x197C0] =	vst v0  }
0x76: {  	v3 =	vld.idx.msk [tilespmem:v1+s3+$0x0], $0xffff;
	v1 =	vtrunc.f32 v2  }
0x77: {  	v1 =	vcvt.f32.s32 v1  }
0x78: {  	v0 =	vld [tilespmem:s0+$0x187F0]  }
0x79: {  	vm15 =	vlt.s32 v1, $0xC3FF  }
0x7a: {  	v1 =	vnsel vm15, $0xC3FF, v1;
	_ =	sdelay $0x2  }
0x7b: {  	s12 =	simm.s32 $0x100;
	v2 =	vtrunc.f32 v0  }
0x7c: {  	s2 =	simm.s32 $0x800;
	v0 =	vld [tilespmem:s12+$0x18700];
	[tilespmem:s0+$0x197D0] =	vst v3;
	v2 =	vcvt.f32.s32 v2  }
.LBB2_3:
0x7d: {  	p0 =	sne.s32 s2, $0x3C00;
	v1 =	vld.idx.msk [tilespmem:v1+s3+$0x0], $0xffff  }
0x7e: {  	vm0 =	vlt.s32 v2, $0xC3FF  }
0x7f: {  	v2 =	vnsel vm0, $0xC3FF, v2;
	_ =	sdelay $0x2  }
0x80: {  	v0 =	vtrunc.f32 v0  }
0x81: {  	v0 =	vcvt.f32.s32 v0;
	v3 =	vld [tilespmem:s12+$0x18710];
	[tilespmem:s0+$0x197E0] =	vst v1  }
0x82: {  	v1 =	vld.idx.msk [tilespmem:v2+s3+$0x0], $0xffff  }
0x83: {  	vm0 =	vlt.s32 v0, $0xC3FF  }
0x84: {  	v0 =	vnsel vm0, $0xC3FF, v0;
	_ =	sdelay $0x2  }
0x85: {  	v2 =	vtrunc.f32 v3  }
0x86: {  	v2 =	vcvt.f32.s32 v2;
	v3 =	vld [tilespmem:s12+$0x18720];
	[tilespmem:s0+$0x197F0] =	vst v1;
	s0 =	smov.u32 s12  }
0x87: {  	v0 =	vld.idx.msk [tilespmem:v0+s3+$0x0], $0xffff  }
0x88: {  	vm0 =	vlt.s32 v2, $0xC3FF  }
0x89: {  	v1 =	vnsel vm0, $0xC3FF, v2;
	_ =	sdelay $0x2  }
0x8a: {  	v2 =	vtrunc.f32 v3  }
0x8b: {  	[tilespmem:s0+$0x19700] =	vst v0;
	v0 =	vcvt.f32.s32 v2;
	v2 =	vld [tilespmem:s0+$0x18730]  }
0x8c: {  	v1 =	vld.idx.msk [tilespmem:v1+s3+$0x0], $0xffff  }
0x8d: {  	vm0 =	vlt.s32 v0, $0xC3FF  }
0x8e: {  	v0 =	vnsel vm0, $0xC3FF, v0;
	_ =	sdelay $0x2  }
0x8f: {  	v2 =	vtrunc.f32 v2  }
0x90: {  	[tilespmem:s0+$0x19710] =	vst v1;
	v1 =	vcvt.f32.s32 v2;
	v2 =	vld [tilespmem:s0+$0x18740]  }
0x91: {  	v0 =	vld.idx.msk [tilespmem:v0+s3+$0x0], $0xffff  }
0x92: {  	vm0 =	vlt.s32 v1, $0xC3FF  }
0x93: {  	v1 =	vnsel vm0, $0xC3FF, v1;
	_ =	sdelay $0x2  }
0x94: {  	v2 =	vtrunc.f32 v2  }
0x95: {  	[tilespmem:s0+$0x19720] =	vst v0;
	v0 =	vcvt.f32.s32 v2;
	v2 =	vld [tilespmem:s0+$0x18750]  }
0x96: {  	v1 =	vld.idx.msk [tilespmem:v1+s3+$0x0], $0xffff  }
0x97: {  	vm0 =	vlt.s32 v0, $0xC3FF  }
0x98: {  	v0 =	vnsel vm0, $0xC3FF, v0;
	_ =	sdelay $0x2  }
0x99: {  	v2 =	vtrunc.f32 v2  }
0x9a: {  	[tilespmem:s0+$0x19730] =	vst v1;
	v1 =	vcvt.f32.s32 v2;
	v2 =	vld [tilespmem:s0+$0x18760]  }
0x9b: {  	v0 =	vld.idx.msk [tilespmem:v0+s3+$0x0], $0xffff  }
0x9c: {  	vm0 =	vlt.s32 v1, $0xC3FF  }
0x9d: {  	v1 =	vnsel vm0, $0xC3FF, v1;
	_ =	sdelay $0x2  }
0x9e: {  	v2 =	vtrunc.f32 v2  }
0x9f: {  	[tilespmem:s0+$0x19740] =	vst v0;
	v0 =	vcvt.f32.s32 v2;
	v2 =	vld [tilespmem:s0+$0x18770]  }
0xa0: {  	v1 =	vld.idx.msk [tilespmem:v1+s3+$0x0], $0xffff  }
0xa1: {  	vm0 =	vlt.s32 v0, $0xC3FF  }
0xa2: {  	v0 =	vnsel vm0, $0xC3FF, v0;
	_ =	sdelay $0x2  }
0xa3: {  	v2 =	vtrunc.f32 v2  }
0xa4: {  	[tilespmem:s0+$0x19750] =	vst v1;
	v1 =	vcvt.f32.s32 v2;
	v2 =	vld [tilespmem:s0+$0x18780]  }
0xa5: {  	v0 =	vld.idx.msk [tilespmem:v0+s3+$0x0], $0xffff  }
0xa6: {  	vm0 =	vlt.s32 v1, $0xC3FF  }
0xa7: {  	v1 =	vnsel vm0, $0xC3FF, v1;
	_ =	sdelay $0x2  }
0xa8: {  	v2 =	vtrunc.f32 v2  }
0xa9: {  	[tilespmem:s0+$0x19760] =	vst v0;
	v0 =	vcvt.f32.s32 v2;
	v2 =	vld [tilespmem:s0+$0x18790]  }
0xaa: {  	v1 =	vld.idx.msk [tilespmem:v1+s3+$0x0], $0xffff  }
0xab: {  	vm0 =	vlt.s32 v0, $0xC3FF  }
0xac: {  	v0 =	vnsel vm0, $0xC3FF, v0;
	_ =	sdelay $0x2  }
0xad: {  	v2 =	vtrunc.f32 v2  }
0xae: {  	[tilespmem:s0+$0x19770] =	vst v1;
	v1 =	vcvt.f32.s32 v2;
	v2 =	vld [tilespmem:s0+$0x187A0]  }
0xaf: {  	v0 =	vld.idx.msk [tilespmem:v0+s3+$0x0], $0xffff  }
0xb0: {  	vm0 =	vlt.s32 v1, $0xC3FF  }
0xb1: {  	v1 =	vnsel vm0, $0xC3FF, v1;
	_ =	sdelay $0x2  }
0xb2: {  	v2 =	vtrunc.f32 v2  }
0xb3: {  	[tilespmem:s0+$0x19780] =	vst v0;
	v0 =	vcvt.f32.s32 v2;
	v2 =	vld [tilespmem:s0+$0x187B0]  }
0xb4: {  	v1 =	vld.idx.msk [tilespmem:v1+s3+$0x0], $0xffff  }
0xb5: {  	vm0 =	vlt.s32 v0, $0xC3FF  }
0xb6: {  	v0 =	vnsel vm0, $0xC3FF, v0;
	_ =	sdelay $0x2  }
0xb7: {  	v2 =	vtrunc.f32 v2  }
0xb8: {  	[tilespmem:s0+$0x19790] =	vst v1;
	v1 =	vcvt.f32.s32 v2;
	v2 =	vld [tilespmem:s0+$0x187C0]  }
0xb9: {  	v0 =	vld.idx.msk [tilespmem:v0+s3+$0x0], $0xffff  }
0xba: {  	vm0 =	vlt.s32 v1, $0xC3FF  }
0xbb: {  	v1 =	vnsel vm0, $0xC3FF, v1;
	_ =	sdelay $0x2  }
0xbc: {  	v2 =	vtrunc.f32 v2  }
0xbd: {  	[tilespmem:s0+$0x197A0] =	vst v0;
	v0 =	vcvt.f32.s32 v2;
	v2 =	vld [tilespmem:s0+$0x187D0]  }
0xbe: {  	v1 =	vld.idx.msk [tilespmem:v1+s3+$0x0], $0xffff  }
0xbf: {  	vm0 =	vlt.s32 v0, $0xC3FF  }
0xc0: {  	v0 =	vnsel vm0, $0xC3FF, v0;
	_ =	sdelay $0x2  }
0xc1: {  	v2 =	vtrunc.f32 v2  }
0xc2: {  	[tilespmem:s0+$0x197B0] =	vst v1;
	v1 =	vcvt.f32.s32 v2;
	v2 =	vld [tilespmem:s0+$0x187E0]  }
0xc3: {  	v0 =	vld.idx.msk [tilespmem:v0+s3+$0x0], $0xffff  }
0xc4: {  	vm0 =	vlt.s32 v1, $0xC3FF  }
0xc5: {  	v1 =	vnsel vm0, $0xC3FF, v1;
	_ =	sdelay $0x2  }
0xc6: {  	v2 =	vtrunc.f32 v2  }
0xc7: {  	[tilespmem:s0+$0x197C0] =	vst v0;
	v0 =	vcvt.f32.s32 v2;
	v2 =	vld [tilespmem:s0+$0x187F0]  }
0xc8: {  	v3 =	vld.idx.msk [tilespmem:v1+s3+$0x0], $0xffff  }
0xc9: {  	vm0 =	vlt.s32 v0, $0xC3FF  }
.Ltmp0:
0xca: {  	v1 =	vnsel vm0, $0xC3FF, v0;
	(pc) =	sbr.rel @p0 .LBB2_3-.Ltmp0, $3  }
0xcb: {  	_ =	sdelay $0x1  }
0xcc: {  	s12 =	sshra.s32 s2, $0x2;
	v2 =	vtrunc.f32 v2  }
0xcd: {  	s2 =	sadd.s32 $0x400, s2;
	v2 =	vcvt.f32.s32 v2;
	v0 =	vld [tilespmem:s12+$0x18700];
	[tilespmem:s0+$0x197D0] =	vst v3  }
0xce: {  	_ =	sdelay $0x3  }
0xcf: {  	v1 =	vld.idx.msk [tilespmem:v1+s3+$0x0], $0xffff;
	vm0 =	vlt.s32 v2, $0xC3FF  }
0xd0: {  	v2 =	vnsel vm0, $0xC3FF, v2;
	_ =	sdelay $0x1  }
0xd1: {  	v0 =	vtrunc.f32 v0  }
0xd2: {  	v3 =	vld [tilespmem:s12+$0x18710];
	v0 =	vcvt.f32.s32 v0  }
0xd3: {  	[tilespmem:s0+$0x197E0] =	vst v1  }
0xd4: {  	v1 =	vld.idx.msk [tilespmem:v2+s3+$0x0], $0xffff;
	vm6 =	vlt.s32 v0, $0xC3FF  }
0xd5: {  	v0 =	vnsel vm6, $0xC3FF, v0;
	_ =	sdelay $0x1  }
0xd6: {  	v2 =	vtrunc.f32 v3  }
0xd7: {  	v2 =	vcvt.f32.s32 v2  }
0xd8: {  	v3 =	vld [tilespmem:s12+$0x18720];
	[tilespmem:s0+$0x197F0] =	vst v1  }
0xd9: {  	vm7 =	vlt.s32 v2, $0xC3FF;
	v0 =	vld.idx.msk [tilespmem:v0+s3+$0x0], $0xffff  }
0xda: {  	v1 =	vnsel vm7, $0xC3FF, v2;
	_ =	sdelay $0x2  }
0xdb: {  	v2 =	vtrunc.f32 v3  }
0xdc: {  	[tilespmem:s12+$0x19700] =	vst v0;
	v0 =	vcvt.f32.s32 v2;
	v2 =	vld [tilespmem:s12+$0x18730]  }
0xdd: {  	v1 =	vld.idx.msk [tilespmem:v1+s3+$0x0], $0xffff  }
0xde: {  	vm8 =	vlt.s32 v0, $0xC3FF  }
0xdf: {  	v0 =	vnsel vm8, $0xC3FF, v0;
	_ =	sdelay $0x1  }
0xe0: {  	v2 =	vtrunc.f32 v2  }
0xe1: {  	[tilespmem:s12+$0x19710] =	vst v1;
	v1 =	vcvt.f32.s32 v2  }
0xe2: {  	v2 =	vld [tilespmem:s12+$0x18740]  }
0xe3: {  	v0 =	vld.idx.msk [tilespmem:v0+s3+$0x0], $0xffff;
	vm9 =	vlt.s32 v1, $0xC3FF  }
0xe4: {  	v1 =	vnsel vm9, $0xC3FF, v1;
	_ =	sdelay $0x2  }
0xe5: {  	v2 =	vtrunc.f32 v2  }
0xe6: {  	[tilespmem:s12+$0x19720] =	vst v0;
	v0 =	vcvt.f32.s32 v2;
	v2 =	vld [tilespmem:s12+$0x18750]  }
0xe7: {  	v1 =	vld.idx.msk [tilespmem:v1+s3+$0x0], $0xffff  }
0xe8: {  	vm10 =	vlt.s32 v0, $0xC3FF  }
0xe9: {  	v0 =	vnsel vm10, $0xC3FF, v0;
	_ =	sdelay $0x1  }
0xea: {  	v2 =	vtrunc.f32 v2  }
0xeb: {  	[tilespmem:s12+$0x19730] =	vst v1;
	v1 =	vcvt.f32.s32 v2  }
0xec: {  	v2 =	vld [tilespmem:s12+$0x18760]  }
0xed: {  	v0 =	vld.idx.msk [tilespmem:v0+s3+$0x0], $0xffff;
	vm11 =	vlt.s32 v1, $0xC3FF  }
0xee: {  	v1 =	vnsel vm11, $0xC3FF, v1;
	_ =	sdelay $0x2  }
0xef: {  	v2 =	vtrunc.f32 v2  }
0xf0: {  	[tilespmem:s12+$0x19740] =	vst v0;
	v0 =	vcvt.f32.s32 v2;
	v2 =	vld [tilespmem:s12+$0x18770]  }
0xf1: {  	v1 =	vld.idx.msk [tilespmem:v1+s3+$0x0], $0xffff  }
0xf2: {  	vm12 =	vlt.s32 v0, $0xC3FF  }
0xf3: {  	v0 =	vnsel vm12, $0xC3FF, v0;
	_ =	sdelay $0x1  }
0xf4: {  	v2 =	vtrunc.f32 v2  }
0xf5: {  	[tilespmem:s12+$0x19750] =	vst v1;
	v1 =	vcvt.f32.s32 v2  }
0xf6: {  	v2 =	vld [tilespmem:s12+$0x18780]  }
0xf7: {  	v0 =	vld.idx.msk [tilespmem:v0+s3+$0x0], $0xffff;
	vm13 =	vlt.s32 v1, $0xC3FF  }
0xf8: {  	v1 =	vnsel vm13, $0xC3FF, v1;
	_ =	sdelay $0x2  }
0xf9: {  	v2 =	vtrunc.f32 v2  }
0xfa: {  	[tilespmem:s12+$0x19760] =	vst v0;
	v0 =	vcvt.f32.s32 v2;
	v2 =	vld [tilespmem:s12+$0x18790]  }
0xfb: {  	v1 =	vld.idx.msk [tilespmem:v1+s3+$0x0], $0xffff  }
0xfc: {  	vm14 =	vlt.s32 v0, $0xC3FF  }
0xfd: {  	v0 =	vnsel vm14, $0xC3FF, v0;
	_ =	sdelay $0x1  }
0xfe: {  	v2 =	vtrunc.f32 v2  }
0xff: {  	[tilespmem:s12+$0x19770] =	vst v1;
	v1 =	vcvt.f32.s32 v2  }
0x100: {  	v2 =	vld [tilespmem:s12+$0x187A0]  }
0x101: {  	v0 =	vld.idx.msk [tilespmem:v0+s3+$0x0], $0xffff;
	vm15 =	vlt.s32 v1, $0xC3FF  }
0x102: {  	v1 =	vnsel vm15, $0xC3FF, v1;
	_ =	sdelay $0x2  }
0x103: {  	v2 =	vtrunc.f32 v2  }
0x104: {  	[tilespmem:s12+$0x19780] =	vst v0;
	v0 =	vcvt.f32.s32 v2;
	v2 =	vld [tilespmem:s12+$0x187B0]  }
0x105: {  	v1 =	vld.idx.msk [tilespmem:v1+s3+$0x0], $0xffff  }
0x106: {  	vm4 =	vlt.s32 v0, $0xC3FF  }
0x107: {  	v0 =	vnsel vm4, $0xC3FF, v0;
	_ =	sdelay $0x1  }
0x108: {  	v2 =	vtrunc.f32 v2  }
0x109: {  	[tilespmem:s12+$0x19790] =	vst v1;
	v1 =	vcvt.f32.s32 v2  }
0x10a: {  	v2 =	vld [tilespmem:s12+$0x187C0]  }
0x10b: {  	v0 =	vld.idx.msk [tilespmem:v0+s3+$0x0], $0xffff;
	vm5 =	vlt.s32 v1, $0xC3FF  }
0x10c: {  	v1 =	vnsel vm5, $0xC3FF, v1;
	_ =	sdelay $0x2  }
0x10d: {  	v2 =	vtrunc.f32 v2  }
0x10e: {  	[tilespmem:s12+$0x197A0] =	vst v0;
	v0 =	vcvt.f32.s32 v2;
	v2 =	vld [tilespmem:s12+$0x187D0]  }
0x10f: {  	v1 =	vld.idx.msk [tilespmem:v1+s3+$0x0], $0xffff  }
0x110: {  	vm6 =	vlt.s32 v0, $0xC3FF  }
0x111: {  	v0 =	vnsel vm6, $0xC3FF, v0;
	_ =	sdelay $0x2  }
0x112: {  	[tilespmem:s12+$0x197B0] =	vst v1;
	v1 =	vtrunc.f32 v2  }
0x113: {  	v2 =	vld [tilespmem:s12+$0x187E0];
	v1 =	vcvt.f32.s32 v1  }
0x114: {  	v0 =	vld.idx.msk [tilespmem:v0+s3+$0x0], $0xffff  }
0x115: {  	vm7 =	vlt.s32 v1, $0xC3FF  }
0x116: {  	v1 =	vnsel vm7, $0xC3FF, v1;
	_ =	sdelay $0x1  }
0x117: {  	v2 =	vtrunc.f32 v2  }
0x118: {  	[tilespmem:s12+$0x197C0] =	vst v0;
	v0 =	vcvt.f32.s32 v2;
	v2 =	vld [tilespmem:s12+$0x187F0];
	_ =	sdelay $0x1  }
0x119: {  	v1 =	vld.idx.msk [tilespmem:v1+s3+$0x0], $0xffff;
	vm8 =	vlt.s32 v0, $0xC3FF  }
0x11a: {  	v0 =	vnsel vm8, $0xC3FF, v0;
	_ =	sdelay $0x1  }
0x11b: {  	v2 =	vtrunc.f32 v2  }
0x11c: {  	v2 =	vcvt.f32.s32 v2  }
0x11d: {  	[tilespmem:s12+$0x197D0] =	vst v1  }
0x11e: {  	v0 =	vld.idx.msk [tilespmem:v0+s3+$0x0], $0xffff;
	vm9 =	vlt.s32 v2, $0xC3FF  }
0x11f: {  	v1 =	vnsel vm9, $0xC3FF, v2;
	_ =	sdelay $0x2  }
0x120: {  	s2 =	sadd.s32 $0x1, s8  }
0x121: {  	s11 =	smin.u32 s2, $0x19;
	[tilespmem:s12+$0x197E0] =	vst v0  }
0x122: {  	s10 =	smul.u32 $0x30E000, s11;
	v0 =	vld.idx.msk [tilespmem:v1+s3+$0x0], $0xffff;
	_ =	sdelay $0x1  }
0x123: {  	s10 =	sadd.s32 s6, s10  }
0x124: {  	s0 =	sor.u32 s7, s10  }
0x125: {  	s0 =	sshrl.u32 s0, $0x3  }
0x126: {  	s13 =	simm.s32 $0x0;
	s18 =	sadd.s32 s14, s10;
	s0 =	sadd.s32 s1, s0;
	[tilespmem:s12+$0x197F0] =	vst v0  }
0x127: {  	[tilespmem:s13], [sflag:$0x1] =	stream.strided.gather [hbm4b:s0+s19], $0x6200, s20, s19, $0x38;
	[tilespmem:$0x1A700] =	vst v63  }
0x128: {  	s0 =	sshrl.u32 s18, $0x3  }
0x129: {  	s0 =	sadd.s32 s1, s0  }
0x12a: {  	[tilespmem:s21], [sflag:$0x1] =	stream.strided.gather [hbm4b:s0+s19], $0x6200, s20, s19, $0x38;
	[tilespmem:$0x1A700] =	vst v63  }
0x12b: {  	_ =	swait.ge [sflag:s29], $0x6200  }
0x12c: {  	[sflag:s29] =	ssyncset.done $0x0  }
0x12d: {  	[sflag:s29] =	ssyncadd.s32 $0xFFFF9E00  }
0x12e: {  	_ =	swait.ge [sflag:s29], $0x6080  }
0x12f: {  	[sflag:s29] =	ssyncset.done $0x0  }
0x130: {  	s12 =	simm.s32 $0x0;
	[sflag:s29] =	ssyncadd.s32 $0xFFFF9F80  }
0x131: {  	v0 =	vld [tilespmem:s12+$0x18700];
	_ =	sdelay $0x4  }
0x132: {  	v0 =	vtrunc.f32 v0  }
0x133: {  	v0 =	vcvt.f32.s32 v0;
	_ =	sdelay $0x1  }
0x134: {  	v1 =	vld [tilespmem:s12+$0x18710];
	v2 =	vadd.s32 $0xFFFF3C00, v0  }
0x135: {  	v3 =	vadd.s32 $0xFFFE7980, v0;
	vm10 =	vgt.s32 v2, $0x0  }
0x136: {  	vm1 =	vgt.s32 v3, $0x0;
	v2 =	vnsel vm10, $0x0, v2  }
0x137: {  	v3 =	vnsel vm1, $0x0, v3;
	v2 =	vmin.u32 v2, $0xC27F  }
0x138: {  	v3 =	vmin.u32 v3, $0x1F  }
0x139: {  	v1 =	vtrunc.f32 v1  }
0x13a: {  	v8 =	vld [tilespmem:s12+$0x18720];
	v14 =	vcvt.f32.s32 v1  }
0x13b: {  	v15 =	vld [tilespmem:s12+$0x19700]  }
0x13c: {  	v1 =	vadd.s32 $0xFFFF3C00, v14;
	v16 =	vld.idx.msk [tilespmem:v2+s24+$0x0], $0xffff  }
0x13d: {  	vm11 =	vgt.s32 v1, $0x0;
	v17 =	vld.idx.msk [tilespmem:v3+s23+$0x0], $0xffff;
	v2 =	vadd.s32 $0xFFFE7980, v14  }
0x13e: {  	v1 =	vnsel vm11, $0x0, v1;
	vm12 =	vgt.s32 v2, $0x0  }
0x13f: {  	v19 =	vmin.u32 v1, $0xC27F;
	v18 =	vnsel vm12, $0x0, v2  }
0x140: {  	vm13 =	vgt.s32 v0, $0xC3FF;
	v18 =	vmin.u32 v18, $0x1F  }
0x141: {  	v8 =	vtrunc.f32 v8;
	vm14 =	vgt.s32 v0, $0x1867F;
	v15 =	vsel vm13, v16, v15  }
0x142: {  	v9 =	vld [tilespmem:s12+$0x18730];
	v8 =	vcvt.f32.s32 v8;
	v15 =	vsel vm14, v17, v15  }
0x143: {  	[tilespmem:s12+$0x19700] =	vst v15;
	v15 =	vld [tilespmem:s12+$0x19710]  }
0x144: {  	v17 =	vadd.s32 $0xFFFF3C00, v8;
	v16 =	vld.idx.msk [tilespmem:v19+s24+$0x0], $0xffff  }
0x145: {  	vm15 =	vgt.s32 v17, $0x0;
	v18 =	vld.idx.msk [tilespmem:v18+s23+$0x0], $0xffff;
	v19 =	vadd.s32 $0xFFFE7980, v8  }
0x146: {  	v17 =	vnsel vm15, $0x0, v17;
	vm4 =	vgt.s32 v19, $0x0  }
0x147: {  	v17 =	vmin.u32 v17, $0xC27F;
	v19 =	vnsel vm4, $0x0, v19  }
0x148: {  	vm5 =	vgt.s32 v14, $0xC3FF;
	v19 =	vmin.u32 v19, $0x1F  }
0x149: {  	v9 =	vtrunc.f32 v9;
	vm6 =	vgt.s32 v14, $0x1867F;
	v15 =	vsel vm5, v16, v15  }
0x14a: {  	v10 =	vld [tilespmem:s12+$0x18740];
	v9 =	vcvt.f32.s32 v9;
	v14 =	vsel vm6, v18, v15  }
0x14b: {  	[tilespmem:s12+$0x19710] =	vst v14;
	v14 =	vld [tilespmem:s12+$0x19720]  }
0x14c: {  	v16 =	vadd.s32 $0xFFFF3C00, v9;
	v15 =	vld.idx.msk [tilespmem:v17+s24+$0x0], $0xffff  }
0x14d: {  	v18 =	vadd.s32 $0xFFFE7980, v9;
	vm7 =	vgt.s32 v16, $0x0;
	v17 =	vld.idx.msk [tilespmem:v19+s23+$0x0], $0xffff  }
0x14e: {  	vm8 =	vgt.s32 v18, $0x0;
	v16 =	vnsel vm7, $0x0, v16  }
0x14f: {  	v18 =	vnsel vm8, $0x0, v18;
	v16 =	vmin.u32 v16, $0xC27F  }
0x150: {  	vm9 =	vgt.s32 v8, $0xC3FF;
	v18 =	vmin.u32 v18, $0x1F  }
0x151: {  	vm10 =	vgt.s32 v8, $0x1867F;
	v14 =	vsel vm9, v15, v14  }
0x152: {  	v11 =	vld [tilespmem:s12+$0x18750];
	v10 =	vtrunc.f32 v10;
	v8 =	vsel vm10, v17, v14  }
0x153: {  	[tilespmem:s12+$0x19720] =	vst v8;
	v8 =	vcvt.f32.s32 v10;
	v10 =	vld [tilespmem:s12+$0x19730]  }
0x154: {  	v14 =	vld.idx.msk [tilespmem:v16+s24+$0x0], $0xffff  }
0x155: {  	v16 =	vld.idx.msk [tilespmem:v18+s23+$0x0], $0xffff;
	v15 =	vadd.s32 $0xFFFF3C00, v8  }
0x156: {  	v17 =	vadd.s32 $0xFFFE7980, v8;
	vm11 =	vgt.s32 v15, $0x0  }
0x157: {  	vm12 =	vgt.s32 v17, $0x0;
	v15 =	vnsel vm11, $0x0, v15  }
0x158: {  	vm13 =	vgt.s32 v9, $0xC3FF;
	v17 =	vnsel vm12, $0x0, v17;
	v15 =	vmin.u32 v15, $0xC27F  }
0x159: {  	vm14 =	vgt.s32 v9, $0x1867F;
	v17 =	vmin.u32 v17, $0x1F;
	v10 =	vsel vm13, v14, v10  }
0x15a: {  	v9 =	vsel vm14, v16, v10;
	v10 =	vtrunc.f32 v11  }
0x15b: {  	v12 =	vld [tilespmem:s12+$0x18760];
	[tilespmem:s12+$0x19730] =	vst v9;
	v9 =	vcvt.f32.s32 v10  }
0x15c: {  	v10 =	vld [tilespmem:s12+$0x19740]  }
0x15d: {  	v11 =	vld.idx.msk [tilespmem:v15+s24+$0x0], $0xffff;
	v14 =	vadd.s32 $0xFFFF3C00, v9  }
0x15e: {  	v15 =	vld.idx.msk [tilespmem:v17+s23+$0x0], $0xffff;
	v16 =	vadd.s32 $0xFFFE7980, v9;
	vm15 =	vgt.s32 v14, $0x0  }
0x15f: {  	vm4 =	vgt.s32 v16, $0x0;
	v14 =	vnsel vm15, $0x0, v14  }
0x160: {  	v16 =	vnsel vm4, $0x0, v16;
	v14 =	vmin.u32 v14, $0xC27F  }
0x161: {  	vm5 =	vgt.s32 v8, $0xC3FF;
	v16 =	vmin.u32 v16, $0x1F  }
0x162: {  	vm6 =	vgt.s32 v8, $0x1867F;
	v10 =	vsel vm5, v11, v10  }
0x163: {  	v13 =	vld [tilespmem:s12+$0x18770];
	v8 =	vsel vm6, v15, v10;
	v10 =	vtrunc.f32 v12  }
0x164: {  	[tilespmem:s12+$0x19740] =	vst v8;
	v8 =	vcvt.f32.s32 v10;
	v10 =	vld [tilespmem:s12+$0x19750]  }
0x165: {  	v11 =	vld.idx.msk [tilespmem:v14+s24+$0x0], $0xffff  }
0x166: {  	v14 =	vld.idx.msk [tilespmem:v16+s23+$0x0], $0xffff;
	v12 =	vadd.s32 $0xFFFF3C00, v8  }
0x167: {  	v15 =	vadd.s32 $0xFFFE7980, v8;
	vm7 =	vgt.s32 v12, $0x0  }
0x168: {  	vm8 =	vgt.s32 v15, $0x0;
	v12 =	vnsel vm7, $0x0, v12  }
0x169: {  	vm9 =	vgt.s32 v9, $0xC3FF;
	v15 =	vnsel vm8, $0x0, v15;
	v12 =	vmin.u32 v12, $0xC27F  }
0x16a: {  	vm10 =	vgt.s32 v9, $0x1867F;
	v15 =	vmin.u32 v15, $0x1F;
	v10 =	vsel vm9, v11, v10  }
0x16b: {  	v9 =	vsel vm10, v14, v10;
	v10 =	vtrunc.f32 v13  }
0x16c: {  	v7 =	vld [tilespmem:s12+$0x18780];
	[tilespmem:s12+$0x19750] =	vst v9;
	v9 =	vcvt.f32.s32 v10  }
0x16d: {  	v10 =	vld [tilespmem:s12+$0x19760]  }
0x16e: {  	v11 =	vld.idx.msk [tilespmem:v12+s24+$0x0], $0xffff;
	v12 =	vadd.s32 $0xFFFF3C00, v9  }
0x16f: {  	v13 =	vld.idx.msk [tilespmem:v15+s23+$0x0], $0xffff;
	v14 =	vadd.s32 $0xFFFE7980, v9;
	vm11 =	vgt.s32 v12, $0x0  }
0x170: {  	vm12 =	vgt.s32 v14, $0x0;
	v12 =	vnsel vm11, $0x0, v12  }
0x171: {  	v14 =	vnsel vm12, $0x0, v14;
	v12 =	vmin.u32 v12, $0xC27F  }
0x172: {  	vm13 =	vgt.s32 v8, $0xC3FF;
	v14 =	vmin.u32 v14, $0x1F  }
0x173: {  	v7 =	vtrunc.f32 v7;
	vm14 =	vgt.s32 v8, $0x1867F;
	v10 =	vsel vm13, v11, v10  }
0x174: {  	v6 =	vld [tilespmem:s12+$0x18790];
	v7 =	vcvt.f32.s32 v7;
	v8 =	vsel vm14, v13, v10  }
0x175: {  	[tilespmem:s12+$0x19760] =	vst v8;
	v8 =	vld [tilespmem:s12+$0x19770]  }
0x176: {  	v10 =	vld.idx.msk [tilespmem:v12+s24+$0x0], $0xffff;
	v12 =	vadd.s32 $0xFFFF3C00, v7  }
0x177: {  	v13 =	vadd.s32 $0xFFFE7980, v7;
	v11 =	vld.idx.msk [tilespmem:v14+s23+$0x0], $0xffff;
	vm15 =	vgt.s32 v12, $0x0  }
0x178: {  	vm4 =	vgt.s32 v13, $0x0;
	v12 =	vnsel vm15, $0x0, v12  }
0x179: {  	v13 =	vnsel vm4, $0x0, v13;
	v12 =	vmin.u32 v12, $0xC27F  }
0x17a: {  	vm5 =	vgt.s32 v9, $0xC3FF;
	v13 =	vmin.u32 v13, $0x1F  }
0x17b: {  	v6 =	vtrunc.f32 v6;
	vm6 =	vgt.s32 v9, $0x1867F;
	v8 =	vsel vm5, v10, v8  }
0x17c: {  	v5 =	vld [tilespmem:s12+$0x187A0];
	v6 =	vcvt.f32.s32 v6;
	v8 =	vsel vm6, v11, v8  }
0x17d: {  	[tilespmem:s12+$0x19770] =	vst v8;
	v8 =	vld [tilespmem:s12+$0x19780]  }
0x17e: {  	v10 =	vadd.s32 $0xFFFF3C00, v6;
	v9 =	vld.idx.msk [tilespmem:v12+s24+$0x0], $0xffff  }
0x17f: {  	vm7 =	vgt.s32 v10, $0x0;
	v11 =	vld.idx.msk [tilespmem:v13+s23+$0x0], $0xffff;
	v12 =	vadd.s32 $0xFFFE7980, v6  }
0x180: {  	v10 =	vnsel vm7, $0x0, v10;
	vm8 =	vgt.s32 v12, $0x0  }
0x181: {  	v10 =	vmin.u32 v10, $0xC27F;
	v12 =	vnsel vm8, $0x0, v12  }
0x182: {  	vm9 =	vgt.s32 v7, $0xC3FF;
	v12 =	vmin.u32 v12, $0x1F  }
0x183: {  	v5 =	vtrunc.f32 v5;
	vm10 =	vgt.s32 v7, $0x1867F;
	v8 =	vsel vm9, v9, v8  }
0x184: {  	v4 =	vld [tilespmem:s12+$0x187B0];
	v5 =	vcvt.f32.s32 v5;
	v7 =	vsel vm10, v11, v8  }
0x185: {  	[tilespmem:s12+$0x19780] =	vst v7;
	v7 =	vld [tilespmem:s12+$0x19790]  }
0x186: {  	v9 =	vadd.s32 $0xFFFF3C00, v5;
	v8 =	vld.idx.msk [tilespmem:v10+s24+$0x0], $0xffff  }
0x187: {  	vm11 =	vgt.s32 v9, $0x0;
	v11 =	vadd.s32 $0xFFFE7980, v5;
	v10 =	vld.idx.msk [tilespmem:v12+s23+$0x0], $0xffff  }
0x188: {  	v9 =	vnsel vm11, $0x0, v9;
	vm12 =	vgt.s32 v11, $0x0  }
0x189: {  	v11 =	vnsel vm12, $0x0, v11;
	v9 =	vmin.u32 v9, $0xC27F  }
0x18a: {  	vm13 =	vgt.s32 v6, $0xC3FF;
	v11 =	vmin.u32 v11, $0x1F  }
0x18b: {  	v4 =	vtrunc.f32 v4;
	vm14 =	vgt.s32 v6, $0x1867F;
	v7 =	vsel vm13, v8, v7  }
0x18c: {  	v4 =	vcvt.f32.s32 v4;
	v3 =	vld [tilespmem:s12+$0x187C0];
	v6 =	vsel vm14, v10, v7  }
0x18d: {  	[tilespmem:s12+$0x19790] =	vst v6;
	v6 =	vld [tilespmem:s12+$0x197A0]  }
0x18e: {  	v8 =	vadd.s32 $0xFFFF3C00, v4;
	v7 =	vld.idx.msk [tilespmem:v9+s24+$0x0], $0xffff  }
0x18f: {  	v10 =	vadd.s32 $0xFFFE7980, v4;
	vm15 =	vgt.s32 v8, $0x0;
	v9 =	vld.idx.msk [tilespmem:v11+s23+$0x0], $0xffff  }
0x190: {  	vm4 =	vgt.s32 v10, $0x0;
	v8 =	vnsel vm15, $0x0, v8  }
0x191: {  	v10 =	vnsel vm4, $0x0, v10;
	v8 =	vmin.u32 v8, $0xC27F  }
0x192: {  	vm5 =	vgt.s32 v5, $0xC3FF;
	v10 =	vmin.u32 v10, $0x1F  }
0x193: {  	v3 =	vtrunc.f32 v3;
	vm6 =	vgt.s32 v5, $0x1867F;
	v6 =	vsel vm5, v7, v6  }
0x194: {  	v2 =	vld [tilespmem:s12+$0x187D0];
	v3 =	vcvt.f32.s32 v3;
	v5 =	vsel vm6, v9, v6  }
0x195: {  	[tilespmem:s12+$0x197A0] =	vst v5;
	v5 =	vld [tilespmem:s12+$0x197B0]  }
0x196: {  	v7 =	vadd.s32 $0xFFFF3C00, v3;
	v6 =	vld.idx.msk [tilespmem:v8+s24+$0x0], $0xffff  }
0x197: {  	vm7 =	vgt.s32 v7, $0x0;
	v9 =	vadd.s32 $0xFFFE7980, v3;
	v8 =	vld.idx.msk [tilespmem:v10+s23+$0x0], $0xffff  }
0x198: {  	v7 =	vnsel vm7, $0x0, v7;
	vm8 =	vgt.s32 v9, $0x0  }
0x199: {  	v9 =	vnsel vm8, $0x0, v9;
	v7 =	vmin.u32 v7, $0xC27F  }
0x19a: {  	vm9 =	vgt.s32 v4, $0xC3FF;
	v9 =	vmin.u32 v9, $0x1F  }
0x19b: {  	v2 =	vtrunc.f32 v2;
	vm10 =	vgt.s32 v4, $0x1867F;
	v5 =	vsel vm9, v6, v5  }
0x19c: {  	v1 =	vld [tilespmem:s12+$0x187E0];
	v2 =	vcvt.f32.s32 v2;
	v4 =	vsel vm10, v8, v5  }
0x19d: {  	[tilespmem:s12+$0x197B0] =	vst v4;
	v4 =	vld [tilespmem:s12+$0x197C0]  }
0x19e: {  	v6 =	vadd.s32 $0xFFFF3C00, v2;
	v5 =	vld.idx.msk [tilespmem:v7+s24+$0x0], $0xffff  }
0x19f: {  	vm11 =	vgt.s32 v6, $0x0;
	v8 =	vadd.s32 $0xFFFE7980, v2;
	v7 =	vld.idx.msk [tilespmem:v9+s23+$0x0], $0xffff  }
0x1a0: {  	v6 =	vnsel vm11, $0x0, v6;
	vm12 =	vgt.s32 v8, $0x0  }
0x1a1: {  	v8 =	vnsel vm12, $0x0, v8;
	v6 =	vmin.u32 v6, $0xC27F  }
0x1a2: {  	vm13 =	vgt.s32 v3, $0xC3FF;
	v8 =	vmin.u32 v8, $0x1F  }
0x1a3: {  	v1 =	vtrunc.f32 v1;
	vm14 =	vgt.s32 v3, $0x1867F;
	v4 =	vsel vm13, v5, v4  }
0x1a4: {  	v0 =	vld [tilespmem:s12+$0x187F0];
	v1 =	vcvt.f32.s32 v1;
	v3 =	vsel vm14, v7, v4  }
0x1a5: {  	[tilespmem:s12+$0x197C0] =	vst v3;
	v3 =	vld [tilespmem:s12+$0x197D0]  }
0x1a6: {  	v5 =	vadd.s32 $0xFFFF3C00, v1;
	v4 =	vld.idx.msk [tilespmem:v6+s24+$0x0], $0xffff  }
0x1a7: {  	v7 =	vadd.s32 $0xFFFE7980, v1;
	vm15 =	vgt.s32 v5, $0x0;
	v6 =	vld.idx.msk [tilespmem:v8+s23+$0x0], $0xffff  }
0x1a8: {  	vm4 =	vgt.s32 v7, $0x0;
	v5 =	vnsel vm15, $0x0, v5  }
0x1a9: {  	v7 =	vnsel vm4, $0x0, v7;
	v5 =	vmin.u32 v5, $0xC27F  }
0x1aa: {  	vm5 =	vgt.s32 v2, $0xC3FF;
	v7 =	vmin.u32 v7, $0x1F  }
0x1ab: {  	vm6 =	vgt.s32 v2, $0x1867F;
	v3 =	vsel vm5, v4, v3  }
0x1ac: {  	v0 =	vtrunc.f32 v0;
	v17 =	vld [tilespmem:s12+$0x197F0];
	v2 =	vsel vm6, v6, v3  }
0x1ad: {  	v0 =	vcvt.f32.s32 v0;
	[tilespmem:s12+$0x197D0] =	vst v2;
	v2 =	vld [tilespmem:s12+$0x197E0]  }
0x1ae: {  	v3 =	vld.idx.msk [tilespmem:v5+s24+$0x0], $0xffff  }
0x1af: {  	s18 =	simm.s32 $0x100;
	v4 =	vld.idx.msk [tilespmem:v7+s23+$0x0], $0xffff;
	v5 =	vadd.s32 $0xFFFF3C00, v0  }
0x1b0: {  	v6 =	vld [tilespmem:s18+$0x18700];
	v7 =	vadd.s32 $0xFFFE7980, v0;
	vm7 =	vgt.s32 v5, $0x0  }
0x1b1: {  	v8 =	vld [tilespmem:s18+$0x18710];
	vm8 =	vgt.s32 v7, $0x0;
	v5 =	vnsel vm7, $0x0, v5  }
0x1b2: {  	v9 =	vld [tilespmem:s18+$0x18720];
	v7 =	vnsel vm8, $0x0, v7;
	v15 =	vmin.u32 v5, $0xC27F  }
0x1b3: {  	vm9 =	vgt.s32 v1, $0xC3FF;
	v14 =	vld [tilespmem:s18+$0x18730];
	v7 =	vmin.u32 v7, $0x1F  }
0x1b4: {  	vm10 =	vgt.s32 v1, $0x1867F;
	v10 =	vld [tilespmem:s18+$0x18740];
	v2 =	vsel vm9, v3, v2  }
0x1b5: {  	v13 =	vld [tilespmem:s18+$0x18750];
	v1 =	vtrunc.f32 v6;
	v2 =	vsel vm10, v4, v2  }
0x1b6: {  	vm11 =	vgt.s32 v0, $0x1867F;
	v11 =	vld [tilespmem:s18+$0x18760];
	v5 =	vcvt.f32.s32 v1;
	v1 =	vtrunc.f32 v8;
	[tilespmem:s12+$0x197E0] =	vst v2  }
0x1b7: {  	vm12 =	vgt.s32 v0, $0xC3FF;
	v12 =	vcvt.f32.s32 v1;
	v1 =	vtrunc.f32 v9;
	v18 =	vld.idx.msk [tilespmem:v15+s24+$0x0], $0xffff  }
0x1b8: {  	v0 =	vadd.s32 $0xFFFF3C00, v5;
	v2 =	vadd.s32 $0xFFFE7980, v5;
	v6 =	vcvt.f32.s32 v1;
	v19 =	vld.idx.msk [tilespmem:v7+s23+$0x0], $0xffff  }
0x1b9: {  	v9 =	vld [tilespmem:s18+$0x18770];
	vm2 =	vgt.s32 v0, $0x0;
	vm3 =	vgt.s32 v2, $0x0;
	v1 =	vadd.s32 $0xFFFF3C00, v12  }
0x1ba: {  	v4 =	vld [tilespmem:s18+$0x18790];
	v3 =	vnsel vm2, $0x0, v0;
	v2 =	vnsel vm3, $0x0, v2;
	vm13 =	vgt.s32 v1, $0x0  }
0x1bb: {  	v0 =	vld [tilespmem:s18+$0x18780];
	v20 =	vadd.s32 $0xFFFF3C00, v6;
	v15 =	vadd.s32 $0xFFFE7980, v6;
	v16 =	vmin.u32 v3, $0xC27F  }
0x1bc: {  	v8 =	vmin.u32 v2, $0x1F;
	v7 =	vnsel vm13, $0x0, v1;
	v1 =	vadd.s32 $0xFFFE7980, v12;
	v3 =	vld [tilespmem:s18+$0x187A0]  }
0x1bd: {  	vm15 =	vgt.s32 v20, $0x0;
	v2 =	vld [tilespmem:s18+$0x187B0];
	vm14 =	vgt.s32 v1, $0x0;
	v21 =	vsel vm12, v18, v17  }
0x1be: {  	s13 =	simm.s32 $0x800;
	v18 =	vnsel vm14, $0x0, v1;
	v17 =	vnsel vm15, $0x0, v20;
	v1 =	vld [tilespmem:s18+$0x187C0];
	v19 =	vsel vm11, v19, v21  }
.LBB2_5:
0x1bf: {  	p0 =	sne.s32 s13, $0x3C00;
	v20 =	vld [tilespmem:s18+$0x19700];
	vm0 =	vgt.s32 v15, $0x0;
	v14 =	vtrunc.f32 v14;
	v10 =	vtrunc.f32 v10;
	[tilespmem:s12+$0x197F0] =	vst v19;
	s0 =	smov.u32 s13;
	s13 =	sadd.s32 $0x400, s13  }
0x1c0: {  	s12 =	smov.u32 s18;
	v19 =	vld.idx.msk [tilespmem:v16+s24+$0x0], $0xffff;
	v22 =	vnsel vm0, $0x0, v15;
	v14 =	vcvt.f32.s32 v14;
	v10 =	vcvt.f32.s32 v10  }
0x1c1: {  	v13 =	vtrunc.f32 v13;
	v11 =	vtrunc.f32 v11;
	v8 =	vld.idx.msk [tilespmem:v8+s23+$0x0], $0xffff  }
0x1c2: {  	v15 =	vadd.s32 $0xFFFF3C00, v14;
	v16 =	vadd.s32 $0xFFFE7980, v14;
	v21 =	vadd.s32 $0xFFFF3C00, v10;
	v30 =	vld [tilespmem:s12+$0x187D0]  }
0x1c3: {  	vm0 =	vgt.s32 v15, $0x0;
	vm1 =	vgt.s32 v16, $0x0;
	vm2 =	vgt.s32 v21, $0x0;
	v29 =	vld [tilespmem:s12+$0x187E0]  }
0x1c4: {  	v7 =	vmin.u32 v7, $0xC27F;
	v23 =	vnsel vm0, $0x0, v15;
	v31 =	vnsel vm1, $0x0, v16;
	v16 =	vld [tilespmem:s12+$0x187F0]  }
0x1c5: {  	v18 =	vmin.u32 v18, $0x1F;
	vm0 =	vgt.s32 v5, $0xC3FF;
	v32 =	vnsel vm2, $0x0, v21  }
0x1c6: {  	v15 =	vsel vm0, v19, v20;
	vm0 =	vgt.s32 v5, $0x1867F;
	v5 =	vadd.s32 $0xFFFE7980, v10  }
0x1c7: {  	v21 =	vcvt.f32.s32 v13;
	v8 =	vsel vm0, v8, v15;
	vm0 =	vgt.s32 v5, $0x0  }
0x1c8: {  	v15 =	vcvt.f32.s32 v11;
	v33 =	vnsel vm0, $0x0, v5;
	v5 =	vtrunc.f32 v9;
	[tilespmem:s12+$0x19700] =	vst v8;
	v8 =	vld [tilespmem:s12+$0x19710]  }
0x1c9: {  	v11 =	vadd.s32 $0xFFFF3C00, v21;
	v13 =	vadd.s32 $0xFFFE7980, v21;
	v9 =	vld.idx.msk [tilespmem:v7+s24+$0x0], $0xffff;
	v7 =	vcvt.f32.s32 v5  }
0x1ca: {  	vm0 =	vgt.s32 v11, $0x0;
	vm1 =	vgt.s32 v13, $0x0;
	v5 =	vld.idx.msk [tilespmem:v18+s23+$0x0], $0xffff;
	v18 =	vadd.s32 $0xFFFF3C00, v15  }
0x1cb: {  	v34 =	vnsel vm0, $0x0, v11;
	v35 =	vnsel vm1, $0x0, v13;
	vm0 =	vgt.s32 v18, $0x0  }
0x1cc: {  	v11 =	vadd.s32 $0xFFFE7980, v15;
	v13 =	vadd.s32 $0xFFFF3C00, v7;
	v26 =	vnsel vm0, $0x0, v18  }
0x1cd: {  	v17 =	vmin.u32 v17, $0xC27F;
	vm0 =	vgt.s32 v11, $0x0;
	vm1 =	vgt.s32 v13, $0x0  }
0x1ce: {  	vm2 =	vgt.s32 v12, $0xC3FF;
	v18 =	vmin.u32 v22, $0x1F;
	v28 =	vnsel vm0, $0x0, v11  }
0x1cf: {  	vm0 =	vgt.s32 v12, $0x1867F;
	v8 =	vsel vm2, v9, v8;
	v9 =	vadd.s32 $0xFFFE7980, v7  }
0x1d0: {  	v25 =	vnsel vm1, $0x0, v13;
	v5 =	vsel vm0, v5, v8;
	vm0 =	vgt.s32 v9, $0x0  }
0x1d1: {  	v4 =	vtrunc.f32 v4;
	v3 =	vtrunc.f32 v3;
	v27 =	vnsel vm0, $0x0, v9;
	[tilespmem:s12+$0x19710] =	vst v5;
	v11 =	vld [tilespmem:s12+$0x19720]  }
0x1d2: {  	v8 =	vcvt.f32.s32 v4;
	v5 =	vcvt.f32.s32 v3;
	v9 =	vld.idx.msk [tilespmem:v17+s24+$0x0], $0xffff  }
0x1d3: {  	v2 =	vtrunc.f32 v2;
	v1 =	vtrunc.f32 v1;
	v3 =	vld.idx.msk [tilespmem:v18+s23+$0x0], $0xffff  }
0x1d4: {  	v4 =	vadd.s32 $0xFFFF3C00, v8;
	v12 =	vadd.s32 $0xFFFE7980, v8;
	v13 =	vadd.s32 $0xFFFF3C00, v5  }
0x1d5: {  	vm0 =	vgt.s32 v4, $0x0;
	vm1 =	vgt.s32 v12, $0x0;
	vm2 =	vgt.s32 v13, $0x0  }
0x1d6: {  	v17 =	vmin.u32 v23, $0xC27F;
	v24 =	vnsel vm0, $0x0, v4;
	v23 =	vnsel vm1, $0x0, v12  }
0x1d7: {  	vm0 =	vgt.s32 v6, $0xC3FF;
	v12 =	vmin.u32 v31, $0x1F;
	v18 =	vnsel vm2, $0x0, v13  }
0x1d8: {  	v4 =	vsel vm0, v9, v11;
	vm0 =	vgt.s32 v6, $0x1867F;
	v9 =	vadd.s32 $0xFFFE7980, v5  }
0x1d9: {  	v6 =	vcvt.f32.s32 v2;
	v3 =	vsel vm0, v3, v4;
	vm0 =	vgt.s32 v9, $0x0  }
0x1da: {  	v4 =	vcvt.f32.s32 v1;
	v1 =	vtrunc.f32 v30;
	v22 =	vnsel vm0, $0x0, v9;
	[tilespmem:s12+$0x19720] =	vst v3;
	v3 =	vld [tilespmem:s12+$0x19730]  }
0x1db: {  	v11 =	vadd.s32 $0xFFFF3C00, v6;
	v13 =	vadd.s32 $0xFFFE7980, v6;
	v2 =	vcvt.f32.s32 v1;
	v9 =	vld.idx.msk [tilespmem:v17+s24+$0x0], $0xffff  }
0x1dc: {  	vm0 =	vgt.s32 v11, $0x0;
	vm1 =	vgt.s32 v13, $0x0;
	v1 =	vld.idx.msk [tilespmem:v12+s23+$0x0], $0xffff;
	v12 =	vadd.s32 $0xFFFF3C00, v4  }
0x1dd: {  	v20 =	vnsel vm0, $0x0, v11;
	v19 =	vnsel vm1, $0x0, v13;
	vm0 =	vgt.s32 v12, $0x0  }
0x1de: {  	v11 =	vadd.s32 $0xFFFE7980, v4;
	v13 =	vnsel vm0, $0x0, v12;
	v12 =	vadd.s32 $0xFFFF3C00, v2  }
0x1df: {  	v30 =	vmin.u32 v32, $0xC27F;
	vm0 =	vgt.s32 v11, $0x0;
	vm1 =	vgt.s32 v12, $0x0  }
0x1e0: {  	v31 =	vmin.u32 v33, $0x1F;
	vm2 =	vgt.s32 v14, $0xC3FF;
	v17 =	vnsel vm0, $0x0, v11  }
0x1e1: {  	vm0 =	vgt.s32 v14, $0x1867F;
	v3 =	vsel vm2, v9, v3;
	v11 =	vnsel vm1, $0x0, v12  }
0x1e2: {  	v9 =	vadd.s32 $0xFFFE7980, v2;
	v1 =	vsel vm0, v1, v3;
	v3 =	vtrunc.f32 v29  }
0x1e3: {  	vm0 =	vgt.s32 v9, $0x0;
	v3 =	vcvt.f32.s32 v3;
	[tilespmem:s12+$0x19730] =	vst v1;
	v29 =	vld [tilespmem:s12+$0x19740];
	v1 =	vtrunc.f32 v16  }
0x1e4: {  	v16 =	vnsel vm0, $0x0, v9;
	v30 =	vld.idx.msk [tilespmem:v30+s24+$0x0], $0xffff;
	v1 =	vcvt.f32.s32 v1  }
0x1e5: {  	v9 =	vadd.s32 $0xFFFF3C00, v3;
	v12 =	vadd.s32 $0xFFFE7980, v3;
	v31 =	vld.idx.msk [tilespmem:v31+s23+$0x0], $0xffff  }
0x1e6: {  	vm0 =	vgt.s32 v9, $0x0;
	vm1 =	vgt.s32 v12, $0x0;
	v32 =	vadd.s32 $0xFFFF3C00, v1  }
0x1e7: {  	v14 =	vnsel vm0, $0x0, v9;
	v12 =	vnsel vm1, $0x0, v12;
	vm0 =	vgt.s32 v32, $0x0  }
0x1e8: {  	v33 =	vmin.u32 v34, $0xC27F;
	v9 =	vnsel vm0, $0x0, v32;
	v32 =	vadd.s32 $0xFFFE7980, v1  }
0x1e9: {  	v34 =	vmin.u32 v35, $0x1F;
	vm0 =	vgt.s32 v10, $0xC3FF;
	vm1 =	vgt.s32 v32, $0x0  }
0x1ea: {  	v29 =	vsel vm0, v30, v29;
	vm0 =	vgt.s32 v10, $0x1867F;
	v10 =	vnsel vm1, $0x0, v32  }
0x1eb: {  	v29 =	vsel vm0, v31, v29  }
0x1ec: {  	[tilespmem:s12+$0x19740] =	vst v29;
	v29 =	vld [tilespmem:s12+$0x19750]  }
0x1ed: {  	v30 =	vld.idx.msk [tilespmem:v33+s24+$0x0], $0xffff  }
0x1ee: {  	v31 =	vld.idx.msk [tilespmem:v34+s23+$0x0], $0xffff;
	_ =	sdelay $0x2  }
0x1ef: {  	v26 =	vmin.u32 v26, $0xC27F  }
0x1f0: {  	v28 =	vmin.u32 v28, $0x1F;
	vm0 =	vgt.s32 v21, $0xC3FF  }
0x1f1: {  	v29 =	vsel vm0, v30, v29;
	vm0 =	vgt.s32 v21, $0x1867F  }
0x1f2: {  	v21 =	vsel vm0, v31, v29  }
0x1f3: {  	[tilespmem:s12+$0x19750] =	vst v21;
	v21 =	vld [tilespmem:s12+$0x19760]  }
0x1f4: {  	v26 =	vld.idx.msk [tilespmem:v26+s24+$0x0], $0xffff  }
0x1f5: {  	v28 =	vld.idx.msk [tilespmem:v28+s23+$0x0], $0xffff;
	_ =	sdelay $0x2  }
0x1f6: {  	v25 =	vmin.u32 v25, $0xC27F  }
0x1f7: {  	v27 =	vmin.u32 v27, $0x1F;
	vm0 =	vgt.s32 v15, $0xC3FF  }
0x1f8: {  	v21 =	vsel vm0, v26, v21;
	vm0 =	vgt.s32 v15, $0x1867F  }
0x1f9: {  	v0 =	vtrunc.f32 v0;
	v15 =	vsel vm0, v28, v21  }
0x1fa: {  	v0 =	vcvt.f32.s32 v0;
	[tilespmem:s12+$0x19760] =	vst v15;
	v15 =	vld [tilespmem:s12+$0x19770]  }
0x1fb: {  	v21 =	vld.idx.msk [tilespmem:v25+s24+$0x0], $0xffff  }
0x1fc: {  	v26 =	vadd.s32 $0xFFFF3C00, v0;
	v25 =	vld.idx.msk [tilespmem:v27+s23+$0x0], $0xffff;
	v27 =	vadd.s32 $0xFFFE7980, v0  }
0x1fd: {  	vm0 =	vgt.s32 v26, $0x0;
	vm1 =	vgt.s32 v27, $0x0  }
0x1fe: {  	v26 =	vnsel vm0, $0x0, v26;
	v27 =	vnsel vm1, $0x0, v27  }
0x1ff: {  	v26 =	vmin.u32 v26, $0xC27F  }
0x200: {  	vm0 =	vgt.s32 v7, $0xC3FF;
	v27 =	vmin.u32 v27, $0x1F  }
0x201: {  	v15 =	vsel vm0, v21, v15;
	vm0 =	vgt.s32 v7, $0x1867F  }
0x202: {  	v7 =	vsel vm0, v25, v15  }
0x203: {  	[tilespmem:s12+$0x19770] =	vst v7;
	v7 =	vld [tilespmem:s12+$0x19780]  }
0x204: {  	v15 =	vld.idx.msk [tilespmem:v26+s24+$0x0], $0xffff  }
0x205: {  	v21 =	vld.idx.msk [tilespmem:v27+s23+$0x0], $0xffff;
	_ =	sdelay $0x2  }
0x206: {  	v24 =	vmin.u32 v24, $0xC27F  }
0x207: {  	v23 =	vmin.u32 v23, $0x1F;
	vm0 =	vgt.s32 v0, $0xC3FF  }
0x208: {  	v7 =	vsel vm0, v15, v7;
	vm0 =	vgt.s32 v0, $0x1867F  }
0x209: {  	v0 =	vsel vm0, v21, v7  }
0x20a: {  	[tilespmem:s12+$0x19780] =	vst v0;
	v0 =	vld [tilespmem:s12+$0x19790]  }
0x20b: {  	v7 =	vld.idx.msk [tilespmem:v24+s24+$0x0], $0xffff  }
0x20c: {  	v15 =	vld.idx.msk [tilespmem:v23+s23+$0x0], $0xffff;
	_ =	sdelay $0x2  }
0x20d: {  	v18 =	vmin.u32 v18, $0xC27F  }
0x20e: {  	vm0 =	vgt.s32 v8, $0xC3FF;
	v21 =	vmin.u32 v22, $0x1F  }
0x20f: {  	v0 =	vsel vm0, v7, v0;
	vm0 =	vgt.s32 v8, $0x1867F  }
0x210: {  	v0 =	vsel vm0, v15, v0  }
0x211: {  	[tilespmem:s12+$0x19790] =	vst v0;
	v0 =	vld [tilespmem:s12+$0x197A0]  }
0x212: {  	v7 =	vld.idx.msk [tilespmem:v18+s24+$0x0], $0xffff  }
0x213: {  	v8 =	vld.idx.msk [tilespmem:v21+s23+$0x0], $0xffff;
	_ =	sdelay $0x2  }
0x214: {  	v15 =	vmin.u32 v20, $0xC27F  }
0x215: {  	vm0 =	vgt.s32 v5, $0xC3FF;
	v18 =	vmin.u32 v19, $0x1F  }
0x216: {  	v0 =	vsel vm0, v7, v0;
	vm0 =	vgt.s32 v5, $0x1867F  }
0x217: {  	v0 =	vsel vm0, v8, v0  }
0x218: {  	[tilespmem:s12+$0x197A0] =	vst v0;
	v0 =	vld [tilespmem:s12+$0x197B0]  }
0x219: {  	v5 =	vld.idx.msk [tilespmem:v15+s24+$0x0], $0xffff  }
0x21a: {  	v7 =	vld.idx.msk [tilespmem:v18+s23+$0x0], $0xffff;
	_ =	sdelay $0x2  }
0x21b: {  	v8 =	vmin.u32 v13, $0xC27F  }
0x21c: {  	vm0 =	vgt.s32 v6, $0xC3FF;
	v13 =	vmin.u32 v17, $0x1F  }
0x21d: {  	v0 =	vsel vm0, v5, v0;
	vm0 =	vgt.s32 v6, $0x1867F  }
0x21e: {  	v0 =	vsel vm0, v7, v0  }
0x21f: {  	[tilespmem:s12+$0x197B0] =	vst v0;
	v0 =	vld [tilespmem:s12+$0x197C0]  }
0x220: {  	v5 =	vld.idx.msk [tilespmem:v8+s24+$0x0], $0xffff  }
0x221: {  	v6 =	vld.idx.msk [tilespmem:v13+s23+$0x0], $0xffff;
	_ =	sdelay $0x2  }
0x222: {  	v7 =	vmin.u32 v11, $0xC27F  }
0x223: {  	vm0 =	vgt.s32 v4, $0xC3FF;
	v8 =	vmin.u32 v16, $0x1F  }
0x224: {  	v0 =	vsel vm0, v5, v0;
	vm0 =	vgt.s32 v4, $0x1867F  }
0x225: {  	v0 =	vsel vm0, v6, v0  }
0x226: {  	[tilespmem:s12+$0x197C0] =	vst v0;
	v0 =	vld [tilespmem:s12+$0x197D0]  }
0x227: {  	v4 =	vld.idx.msk [tilespmem:v7+s24+$0x0], $0xffff  }
0x228: {  	v5 =	vld.idx.msk [tilespmem:v8+s23+$0x0], $0xffff;
	_ =	sdelay $0x2  }
0x229: {  	v6 =	vmin.u32 v14, $0xC27F  }
0x22a: {  	vm0 =	vgt.s32 v2, $0xC3FF;
	v7 =	vmin.u32 v12, $0x1F  }
0x22b: {  	v0 =	vsel vm0, v4, v0;
	vm0 =	vgt.s32 v2, $0x1867F  }
0x22c: {  	v0 =	vsel vm0, v5, v0;
	v17 =	vld [tilespmem:s12+$0x197F0]  }
0x22d: {  	[tilespmem:s12+$0x197D0] =	vst v0;
	v0 =	vld [tilespmem:s12+$0x197E0]  }
0x22e: {  	v2 =	vld.idx.msk [tilespmem:v6+s24+$0x0], $0xffff  }
0x22f: {  	s18 =	sshra.s32 s0, $0x2;
	v4 =	vld.idx.msk [tilespmem:v7+s23+$0x0], $0xffff  }
0x230: {  	v5 =	vld [tilespmem:s18+$0x18700]  }
0x231: {  	v6 =	vld [tilespmem:s18+$0x18710]  }
0x232: {  	v8 =	vmin.u32 v9, $0xC27F;
	v7 =	vld [tilespmem:s18+$0x18720]  }
0x233: {  	v9 =	vmin.u32 v10, $0x1F;
	vm0 =	vgt.s32 v3, $0xC3FF;
	v14 =	vld [tilespmem:s18+$0x18730]  }
0x234: {  	v0 =	vsel vm0, v2, v0;
	vm0 =	vgt.s32 v3, $0x1867F;
	v10 =	vld [tilespmem:s18+$0x18740]  }
0x235: {  	v0 =	vsel vm0, v4, v0;
	v2 =	vtrunc.f32 v5;
	v13 =	vld [tilespmem:s18+$0x18750]  }
0x236: {  	vm0 =	vgt.s32 v1, $0x1867F;
	v5 =	vcvt.f32.s32 v2;
	v2 =	vtrunc.f32 v6;
	v11 =	vld [tilespmem:s18+$0x18760];
	[tilespmem:s12+$0x197E0] =	vst v0  }
0x237: {  	vm1 =	vgt.s32 v1, $0xC3FF;
	v12 =	vcvt.f32.s32 v2;
	v0 =	vtrunc.f32 v7;
	v18 =	vld.idx.msk [tilespmem:v8+s24+$0x0], $0xffff  }
0x238: {  	v1 =	vadd.s32 $0xFFFF3C00, v5;
	v2 =	vadd.s32 $0xFFFE7980, v5;
	v6 =	vcvt.f32.s32 v0;
	v19 =	vld.idx.msk [tilespmem:v9+s23+$0x0], $0xffff  }
0x239: {  	vm2 =	vgt.s32 v1, $0x0;
	vm3 =	vgt.s32 v2, $0x0;
	v3 =	vadd.s32 $0xFFFF3C00, v12;
	v9 =	vld [tilespmem:s18+$0x18770]  }
.Ltmp1:
0x23a: {  	v1 =	vnsel vm2, $0x0, v1;
	v2 =	vnsel vm3, $0x0, v2;
	vm2 =	vgt.s32 v3, $0x0;
	v0 =	vld [tilespmem:s18+$0x18780];
	(pc) =	sbr.rel @p0 .LBB2_5-.Ltmp1, $4  }
0x23b: {  	v16 =	vmin.u32 v1, $0xC27F;
	v8 =	vmin.u32 v2, $0x1F;
	v7 =	vnsel vm2, $0x0, v3;
	v4 =	vld [tilespmem:s18+$0x18790]  }
0x23c: {  	v20 =	vadd.s32 $0xFFFF3C00, v6;
	v15 =	vadd.s32 $0xFFFE7980, v6;
	v1 =	vadd.s32 $0xFFFE7980, v12;
	v3 =	vld [tilespmem:s18+$0x187A0]  }
0x23d: {  	vm3 =	vgt.s32 v20, $0x0;
	vm2 =	vgt.s32 v1, $0x0;
	v21 =	vsel vm1, v18, v17;
	v2 =	vld [tilespmem:s18+$0x187B0]  }
0x23e: {  	v17 =	vnsel vm3, $0x0, v20;
	v18 =	vnsel vm2, $0x0, v1;
	v19 =	vsel vm0, v19, v21;
	v1 =	vld [tilespmem:s18+$0x187C0]  }
0x23f: {  	_ =	sdelay $0x2  }
0x240: {  	v20 =	vld [tilespmem:s18+$0x19700];
	[tilespmem:s12+$0x197F0] =	vst v19  }
0x241: {  	v16 =	vld.idx.msk [tilespmem:v16+s24+$0x0], $0xffff  }
0x242: {  	v19 =	vld.idx.msk [tilespmem:v8+s23+$0x0], $0xffff;
	_ =	sdelay $0x1  }
0x243: {  	v21 =	vmin.u32 v7, $0xC27F  }
0x244: {  	vm0 =	vgt.s32 v5, $0xC3FF;
	v18 =	vmin.u32 v18, $0x1F  }
0x245: {  	vm7 =	vgt.s32 v5, $0x1867F;
	v16 =	vsel vm0, v16, v20  }
0x246: {  	v16 =	vsel vm7, v19, v16  }
0x247: {  	v34 =	vld [tilespmem:s18+$0x19710];
	[tilespmem:s18+$0x19700] =	vst v16  }
0x248: {  	v35 =	vld.idx.msk [tilespmem:v21+s24+$0x0], $0xffff  }
0x249: {  	v18 =	vld.idx.msk [tilespmem:v18+s23+$0x0], $0xffff  }
0x24a: {  	vm8 =	vgt.s32 v15, $0x0  }
0x24b: {  	v17 =	vmin.u32 v17, $0xC27F;
	v15 =	vnsel vm8, $0x0, v15  }
0x24c: {  	vm9 =	vgt.s32 v12, $0xC3FF;
	v15 =	vmin.u32 v15, $0x1F  }
0x24d: {  	vm10 =	vgt.s32 v12, $0x1867F;
	v14 =	vtrunc.f32 v14;
	v16 =	vsel vm9, v35, v34  }
0x24e: {  	v36 =	vcvt.f32.s32 v14;
	v12 =	vsel vm10, v18, v16  }
0x24f: {  	v37 =	vld [tilespmem:s18+$0x19720];
	[tilespmem:s18+$0x19710] =	vst v12  }
0x250: {  	v39 =	vadd.s32 $0xFFFF3C00, v36;
	v38 =	vld.idx.msk [tilespmem:v17+s24+$0x0], $0xffff  }
0x251: {  	v40 =	vadd.s32 $0xFFFE7980, v36;
	vm11 =	vgt.s32 v39, $0x0;
	v15 =	vld.idx.msk [tilespmem:v15+s23+$0x0], $0xffff  }
0x252: {  	vm1 =	vgt.s32 v40, $0x0;
	v17 =	vnsel vm11, $0x0, v39  }
0x253: {  	v18 =	vnsel vm1, $0x0, v40;
	v17 =	vmin.u32 v17, $0xC27F  }
0x254: {  	vm12 =	vgt.s32 v6, $0xC3FF;
	v18 =	vmin.u32 v18, $0x1F  }
0x255: {  	vm13 =	vgt.s32 v6, $0x1867F;
	v10 =	vtrunc.f32 v10;
	v14 =	vsel vm12, v38, v37  }
0x256: {  	v41 =	vcvt.f32.s32 v10;
	v6 =	vsel vm13, v15, v14  }
0x257: {  	v42 =	vld [tilespmem:s18+$0x19730];
	[tilespmem:s18+$0x19720] =	vst v6  }
0x258: {  	v44 =	vadd.s32 $0xFFFF3C00, v41;
	v43 =	vld.idx.msk [tilespmem:v17+s24+$0x0], $0xffff  }
0x259: {  	v46 =	vadd.s32 $0xFFFE7980, v41;
	vm14 =	vgt.s32 v44, $0x0;
	v45 =	vld.idx.msk [tilespmem:v18+s23+$0x0], $0xffff  }
0x25a: {  	vm15 =	vgt.s32 v46, $0x0;
	v15 =	vnsel vm14, $0x0, v44  }
0x25b: {  	v15 =	vmin.u32 v15, $0xC27F;
	v17 =	vnsel vm15, $0x0, v46  }
0x25c: {  	vm4 =	vgt.s32 v36, $0xC3FF;
	v17 =	vmin.u32 v17, $0x1F  }
0x25d: {  	v47 =	vtrunc.f32 v13;
	vm5 =	vgt.s32 v36, $0x1867F;
	v10 =	vsel vm4, v43, v42  }
0x25e: {  	v48 =	vcvt.f32.s32 v47;
	v10 =	vsel vm5, v45, v10  }
0x25f: {  	v49 =	vld [tilespmem:s18+$0x19740];
	[tilespmem:s18+$0x19730] =	vst v10  }
0x260: {  	v51 =	vadd.s32 $0xFFFF3C00, v48;
	v50 =	vld.idx.msk [tilespmem:v15+s24+$0x0], $0xffff  }
0x261: {  	v53 =	vadd.s32 $0xFFFE7980, v48;
	vm6 =	vgt.s32 v51, $0x0;
	v52 =	vld.idx.msk [tilespmem:v17+s23+$0x0], $0xffff  }
0x262: {  	vm7 =	vgt.s32 v53, $0x0;
	v14 =	vnsel vm6, $0x0, v51  }
0x263: {  	v16 =	vnsel vm7, $0x0, v53;
	v14 =	vmin.u32 v14, $0xC27F  }
0x264: {  	vm8 =	vgt.s32 v41, $0xC3FF;
	v16 =	vmin.u32 v16, $0x1F  }
0x265: {  	v11 =	vtrunc.f32 v11;
	vm9 =	vgt.s32 v41, $0x1867F;
	v12 =	vsel vm8, v50, v49  }
0x266: {  	v54 =	vcvt.f32.s32 v11;
	v6 =	vsel vm9, v52, v12  }
0x267: {  	v55 =	vld [tilespmem:s18+$0x19750];
	[tilespmem:s18+$0x19740] =	vst v6  }
0x268: {  	v57 =	vadd.s32 $0xFFFF3C00, v54;
	v56 =	vld.idx.msk [tilespmem:v14+s24+$0x0], $0xffff  }
0x269: {  	v59 =	vadd.s32 $0xFFFE7980, v54;
	vm10 =	vgt.s32 v57, $0x0;
	v58 =	vld.idx.msk [tilespmem:v16+s23+$0x0], $0xffff  }
0x26a: {  	v13 =	vnsel vm10, $0x0, v57;
	vm11 =	vgt.s32 v59, $0x0  }
0x26b: {  	v13 =	vmin.u32 v13, $0xC27F;
	v15 =	vnsel vm11, $0x0, v59  }
0x26c: {  	vm12 =	vgt.s32 v48, $0xC3FF;
	v15 =	vmin.u32 v15, $0x1F  }
0x26d: {  	v9 =	vtrunc.f32 v9;
	vm13 =	vgt.s32 v48, $0x1867F;
	v11 =	vsel vm12, v56, v55  }
0x26e: {  	v9 =	vcvt.f32.s32 v9;
	v10 =	vsel vm13, v58, v11  }
0x26f: {  	v60 =	vld [tilespmem:s18+$0x19760];
	[tilespmem:s18+$0x19750] =	vst v10  }
0x270: {  	v62 =	vadd.s32 $0xFFFF3C00, v9;
	v61 =	vld.idx.msk [tilespmem:v13+s24+$0x0], $0xffff  }
0x271: {  	vm14 =	vgt.s32 v62, $0x0;
	v16 =	vadd.s32 $0xFFFE7980, v9;
	v63 =	vld.idx.msk [tilespmem:v15+s23+$0x0], $0xffff  }
0x272: {  	v12 =	vnsel vm14, $0x0, v62;
	vm15 =	vgt.s32 v16, $0x0  }
0x273: {  	v12 =	vmin.u32 v12, $0xC27F;
	v14 =	vnsel vm15, $0x0, v16  }
0x274: {  	vm4 =	vgt.s32 v54, $0xC3FF;
	v14 =	vmin.u32 v14, $0x1F  }
0x275: {  	v0 =	vtrunc.f32 v0;
	vm5 =	vgt.s32 v54, $0x1867F;
	v10 =	vsel vm4, v61, v60  }
0x276: {  	v0 =	vcvt.f32.s32 v0;
	v6 =	vsel vm5, v63, v10  }
0x277: {  	v17 =	vld [tilespmem:s18+$0x19770];
	[tilespmem:s18+$0x19760] =	vst v6  }
0x278: {  	v20 =	vadd.s32 $0xFFFF3C00, v0;
	v18 =	vld.idx.msk [tilespmem:v12+s24+$0x0], $0xffff  }
0x279: {  	v21 =	vadd.s32 $0xFFFE7980, v0;
	vm6 =	vgt.s32 v20, $0x0;
	v19 =	vld.idx.msk [tilespmem:v14+s23+$0x0], $0xffff  }
0x27a: {  	vm7 =	vgt.s32 v21, $0x0;
	v12 =	vnsel vm6, $0x0, v20  }
0x27b: {  	v13 =	vnsel vm7, $0x0, v21;
	v12 =	vmin.u32 v12, $0xC27F  }
0x27c: {  	vm8 =	vgt.s32 v9, $0xC3FF;
	v13 =	vmin.u32 v13, $0x1F  }
0x27d: {  	v4 =	vtrunc.f32 v4;
	vm9 =	vgt.s32 v9, $0x1867F;
	v6 =	vsel vm8, v18, v17  }
0x27e: {  	v4 =	vcvt.f32.s32 v4;
	v6 =	vsel vm9, v19, v6  }
0x27f: {  	v22 =	vld [tilespmem:s18+$0x19780];
	[tilespmem:s18+$0x19770] =	vst v6  }
0x280: {  	v24 =	vadd.s32 $0xFFFF3C00, v4;
	v23 =	vld.idx.msk [tilespmem:v12+s24+$0x0], $0xffff  }
0x281: {  	v26 =	vadd.s32 $0xFFFE7980, v4;
	vm10 =	vgt.s32 v24, $0x0;
	v25 =	vld.idx.msk [tilespmem:v13+s23+$0x0], $0xffff  }
0x282: {  	vm11 =	vgt.s32 v26, $0x0;
	v10 =	vnsel vm10, $0x0, v24  }
0x283: {  	v10 =	vmin.u32 v10, $0xC27F;
	v12 =	vnsel vm11, $0x0, v26  }
0x284: {  	vm12 =	vgt.s32 v0, $0xC3FF;
	v12 =	vmin.u32 v12, $0x1F  }
0x285: {  	v3 =	vtrunc.f32 v3;
	vm13 =	vgt.s32 v0, $0x1867F;
	v6 =	vsel vm12, v23, v22  }
0x286: {  	v27 =	vcvt.f32.s32 v3;
	v0 =	vsel vm13, v25, v6  }
0x287: {  	v28 =	vld [tilespmem:s18+$0x19790];
	[tilespmem:s18+$0x19780] =	vst v0  }
0x288: {  	v30 =	vadd.s32 $0xFFFF3C00, v27;
	v29 =	vld.idx.msk [tilespmem:v10+s24+$0x0], $0xffff  }
0x289: {  	v32 =	vadd.s32 $0xFFFE7980, v27;
	vm14 =	vgt.s32 v30, $0x0;
	v31 =	vld.idx.msk [tilespmem:v12+s23+$0x0], $0xffff  }
0x28a: {  	v9 =	vnsel vm14, $0x0, v30;
	vm15 =	vgt.s32 v32, $0x0  }
0x28b: {  	v9 =	vmin.u32 v9, $0xC27F;
	v11 =	vnsel vm15, $0x0, v32  }
0x28c: {  	v11 =	vmin.u32 v11, $0x1F;
	vm4 =	vgt.s32 v4, $0xC3FF  }
0x28d: {  	v2 =	vtrunc.f32 v2;
	vm5 =	vgt.s32 v4, $0x1867F;
	v3 =	vsel vm4, v29, v28  }
0x28e: {  	v2 =	vcvt.f32.s32 v2;
	v3 =	vsel vm5, v31, v3  }
0x28f: {  	v33 =	vld [tilespmem:s18+$0x197A0];
	[tilespmem:s18+$0x19790] =	vst v3  }
0x290: {  	v35 =	vadd.s32 $0xFFFF3C00, v2;
	v34 =	vld.idx.msk [tilespmem:v9+s24+$0x0], $0xffff  }
0x291: {  	v37 =	vadd.s32 $0xFFFE7980, v2;
	vm6 =	vgt.s32 v35, $0x0;
	v36 =	vld.idx.msk [tilespmem:v11+s23+$0x0], $0xffff  }
0x292: {  	vm7 =	vgt.s32 v37, $0x0;
	v6 =	vnsel vm6, $0x0, v35  }
0x293: {  	v6 =	vmin.u32 v6, $0xC27F;
	v10 =	vnsel vm7, $0x0, v37  }
0x294: {  	vm8 =	vgt.s32 v27, $0xC3FF;
	v10 =	vmin.u32 v10, $0x1F  }
0x295: {  	v1 =	vtrunc.f32 v1;
	vm9 =	vgt.s32 v27, $0x1867F;
	v3 =	vsel vm8, v34, v33  }
0x296: {  	v8 =	vld [tilespmem:s18+$0x187D0];
	v38 =	vcvt.f32.s32 v1;
	v0 =	vsel vm9, v36, v3  }
0x297: {  	v39 =	vld [tilespmem:s18+$0x197B0];
	[tilespmem:s18+$0x197A0] =	vst v0  }
0x298: {  	v41 =	vadd.s32 $0xFFFF3C00, v38;
	v40 =	vld.idx.msk [tilespmem:v6+s24+$0x0], $0xffff  }
0x299: {  	v43 =	vadd.s32 $0xFFFE7980, v38;
	vm10 =	vgt.s32 v41, $0x0;
	v42 =	vld.idx.msk [tilespmem:v10+s23+$0x0], $0xffff  }
0x29a: {  	v4 =	vnsel vm10, $0x0, v41;
	vm11 =	vgt.s32 v43, $0x0  }
0x29b: {  	v4 =	vmin.u32 v4, $0xC27F;
	v9 =	vnsel vm11, $0x0, v43  }
0x29c: {  	vm12 =	vgt.s32 v2, $0xC3FF;
	v9 =	vmin.u32 v9, $0x1F  }
0x29d: {  	v44 =	vtrunc.f32 v8;
	vm13 =	vgt.s32 v2, $0x1867F;
	v1 =	vsel vm12, v40, v39  }
0x29e: {  	v7 =	vld [tilespmem:s18+$0x187E0];
	v45 =	vcvt.f32.s32 v44;
	v1 =	vsel vm13, v42, v1  }
0x29f: {  	v46 =	vld [tilespmem:s18+$0x197C0];
	[tilespmem:s18+$0x197B0] =	vst v1  }
0x2a0: {  	v48 =	vadd.s32 $0xFFFF3C00, v45;
	v47 =	vld.idx.msk [tilespmem:v4+s24+$0x0], $0xffff  }
0x2a1: {  	v50 =	vadd.s32 $0xFFFE7980, v45;
	vm14 =	vgt.s32 v48, $0x0;
	v49 =	vld.idx.msk [tilespmem:v9+s23+$0x0], $0xffff  }
0x2a2: {  	vm15 =	vgt.s32 v50, $0x0;
	v4 =	vnsel vm14, $0x0, v48  }
0x2a3: {  	v8 =	vnsel vm15, $0x0, v50;
	v4 =	vmin.u32 v4, $0xC27F  }
0x2a4: {  	v8 =	vmin.u32 v8, $0x1F;
	vm4 =	vgt.s32 v38, $0xC3FF  }
0x2a5: {  	v51 =	vtrunc.f32 v7;
	vm5 =	vgt.s32 v38, $0x1867F;
	v2 =	vsel vm4, v47, v46  }
0x2a6: {  	v5 =	vld [tilespmem:s18+$0x187F0];
	v52 =	vcvt.f32.s32 v51;
	v0 =	vsel vm5, v49, v2  }
0x2a7: {  	v53 =	vld [tilespmem:s18+$0x197D0];
	[tilespmem:s18+$0x197C0] =	vst v0  }
0x2a8: {  	v55 =	vadd.s32 $0xFFFF3C00, v52;
	v54 =	vld.idx.msk [tilespmem:v4+s24+$0x0], $0xffff  }
0x2a9: {  	v57 =	vadd.s32 $0xFFFE7980, v52;
	vm6 =	vgt.s32 v55, $0x0;
	v56 =	vld.idx.msk [tilespmem:v8+s23+$0x0], $0xffff  }
0x2aa: {  	vm7 =	vgt.s32 v57, $0x0;
	v4 =	vnsel vm6, $0x0, v55  }
0x2ab: {  	v7 =	vnsel vm7, $0x0, v57;
	v4 =	vmin.u32 v4, $0xC27F  }
0x2ac: {  	v7 =	vmin.u32 v7, $0x1F;
	vm8 =	vgt.s32 v45, $0xC3FF  }
0x2ad: {  	v58 =	vtrunc.f32 v5;
	vm9 =	vgt.s32 v45, $0x1867F;
	v2 =	vsel vm8, v54, v53  }
0x2ae: {  	v1 =	vcvt.f32.s32 v58;
	v2 =	vsel vm9, v56, v2  }
0x2af: {  	v60 =	vld [tilespmem:s18+$0x197E0];
	[tilespmem:s18+$0x197D0] =	vst v2  }
0x2b0: {  	v61 =	vadd.s32 $0xFFFF3C00, v1;
	v4 =	vld.idx.msk [tilespmem:v4+s24+$0x0], $0xffff  }
0x2b1: {  	v62 =	vadd.s32 $0xFFFE7980, v1;
	vm10 =	vgt.s32 v61, $0x0;
	v7 =	vld.idx.msk [tilespmem:v7+s23+$0x0], $0xffff  }
0x2b2: {  	vm11 =	vgt.s32 v62, $0x0;
	v5 =	vnsel vm10, $0x0, v61  }
0x2b3: {  	v6 =	vnsel vm11, $0x0, v62;
	v5 =	vmin.u32 v5, $0xC27F  }
0x2b4: {  	vm12 =	vgt.s32 v52, $0xC3FF;
	v6 =	vmin.u32 v6, $0x1F  }
0x2b5: {  	vm13 =	vgt.s32 v52, $0x1867F;
	v2 =	vsel vm12, v4, v60  }
0x2b6: {  	v0 =	vsel vm13, v7, v2  }
0x2b7: {  	v59 =	vld [tilespmem:s18+$0x197F0];
	[tilespmem:s18+$0x197E0] =	vst v0  }
0x2b8: {  	v0 =	vld.idx.msk [tilespmem:v5+s24+$0x0], $0xffff  }
0x2b9: {  	v63 =	vld.idx.msk [tilespmem:v6+s23+$0x0], $0xffff;
	_ =	sdelay $0x2  }
0x2ba: {  	vm14 =	vgt.s32 v1, $0xC3FF  }
0x2bb: {  	vm15 =	vgt.s32 v1, $0x1867F;
	v0 =	vsel vm14, v0, v59  }
0x2bc: {  	s0 =	sshll.u32 s8, $0xE;
	v0 =	vsel vm15, v63, v0  }
0x2bd: {  	s13 =	sshll.u32 s11, $0x4;
	s0 =	sadd.s32 s0, s17;
	[tilespmem:s18+$0x197F0] =	vst v0  }
0x2be: {  	[hbm4b:s0+s19] =	stream.strided.scatter [tilespmem:s30], [sflag:$0x4], $0x1000, s20, s19, $0x38;
	[tilespmem:$0x1A700] =	vst v63  }
0x2bf: {  	s18 =	sshll.u32 s11, $0x9;
	s0 =	sand.u32 $0x70, s13;
	_ =	swait.ge [sflag:s31], $0x1000  }
0x2c0: {  	s8 =	sand.u32 $0x3000, s18;
	s0 =	sadd.s32 s5, s0;
	[sflag:s31] =	ssyncset.done $0x0  }
0x2c1: {  	s12 =	sshll.u32 s11, $0xC;
	s0 =	sadd.s32 s8, s0;
	[sflag:s31] =	ssyncadd.s32 $0xFFFFF000  }
0x2c2: {  	[tilespmem:s22], [sflag:$0x3] =	stream.strided.gather [hbm4b:s0+s19], $0x1000, s20, s19, $0x38;
	[tilespmem:$0x1A700] =	vst v63  }
0x2c3: {  	s0 =	sor.u32 s9, s12  }
0x2c4: {  	s0 =	sshrl.u32 s0, $0x3  }
0x2c5: {  	s13 =	sadd.s32 s15, s10;
	s0 =	sadd.s32 s4, s0  }
0x2c6: {  	[tilespmem:s23], [sflag:$0x3] =	stream.linear.gather [hbm4b:s0+s3], $0x80, $0x38;
	[tilespmem:$0x1A700] =	vst v63  }
0x2c7: {  	p0 =	sne.s32 s2, $0x1A;
	s0 =	sshrl.u32 s13, $0x3  }
.Ltmp2:
0x2c8: {  	s18 =	sadd.s32 s16, s10;
	s0 =	sadd.s32 s1, s0;
	(pc) =	sbr.rel @p0 .LBB2_2-.Ltmp2, $4  }
0x2c9: {  	[tilespmem:s24], [sflag:$0x2] =	stream.strided.gather [hbm4b:s0+s19], $0x6200, s20, s19, $0x38;
	[tilespmem:$0x1A700] =	vst v63  }
0x2ca: {  	s0 =	sshrl.u32 s18, $0x3  }
0x2cb: {  	s8 =	smov.u32 s2;
	s0 =	sadd.s32 s1, s0  }
0x2cc: {  	[tilespmem:s25], [sflag:$0x2] =	stream.strided.gather [hbm4b:s0+s19], $0x6080, s20, s19, $0x38;
	[tilespmem:$0x1A700] =	vst v63  }
0x2cd: {  	_ =	swait.ge [sflag:s26], $0x1000  }
0x2ce: {  	[sflag:s26] =	ssyncset.done $0x0  }
0x2cf: {  	[sflag:s26] =	ssyncadd.s32 $0xFFFFF000  }
0x2d0: {  	_ =	swait.ge [sflag:s26], $0x80  }
0x2d1: {  	[sflag:s26] =	ssyncset.done $0x0  }
0x2d2: {  	[sflag:s26] =	ssyncadd.s32 $0xFFFFFF80  }
0x2d3: {  	_ =	swait.ge [sflag:s28], $0x6200  }
0x2d4: {  	[sflag:s28] =	ssyncset.done $0x0  }
0x2d5: {  	[sflag:s28] =	ssyncadd.s32 $0xFFFF9E00  }
0x2d6: {  	_ =	swait.ge [sflag:s28], $0x6200  }
0x2d7: {  	[sflag:s28] =	ssyncset.done $0x0  }
0x2d8: {  	[sflag:s28] =	ssyncadd.s32 $0xFFFF9E00  }
0x2d9: {  	_ =	swait.ge [sflag:s29], $0x6200  }
0x2da: {  	[sflag:s29] =	ssyncset.done $0x0  }
0x2db: {  	[sflag:s29] =	ssyncadd.s32 $0xFFFF9E00  }
0x2dc: {  	_ =	swait.ge [sflag:s29], $0x6080  }
0x2dd: {  	s2 =	rddreg [dreg:$0x9]  }
0x2de: {  	s0 =	rddreg [dreg:$0x8];
	s2 =	sadd.s32 $0x1, s2  }
0x2df: {  	p0 =	sne.s32 s2, s0  }
.Ltmp3:
0x2e0: {  	_ = 	snop;
	(pc) =	sbr.rel @p0 .LBB2_1-.Ltmp3, $3  }
0x2e1: {  	_ =	sdelay $0x1  }
0x2e2: {  	[sflag:s29] =	ssyncset.done $0x0  }
0x2e3: {  	[sflag:s29] =	ssyncadd.s32 $0xFFFF9F80  }
0x2e4: {  	_ =	sfence.sel $0x180000  }
0x2e5: {  	[bflag:$0x0] =	sbarrier.arrive $0xFFFF  }
0x2e6: {  	_ =	strace $0x90000047  }
0x2e7: {  	s0 =	stileid.u32;
	[bflag:$0x2] =	sbarrier.arrive $0xFFFF  }
0x2e8: {  	p0 =	sne.s32 s0, $0x0;
	s0 =	rddreg [dreg:$0x2]  }
0x2e9: {  	s0 =	sadd.s32 @!p0 $0x100000, s0  }
0x2ea: {  	[sflag:s0] =	ssyncadd.tile.s32 @!p0 $0x1;
	_ =	shalt  }
.Lfunc_end2:
_tile_overlayer_lowered:
.L_overlay_start_2:
0x2eb: {  	(tag) =	ssettag $0x2  }
0x2ec: {  	s0 =	rddreg [dreg:$0x0];
	s2 =	stileid.u32  }
0x2ed: {  	s1 =	rddreg [dreg:$0x1];
	p0 =	sne.s32 s2, $0x0  }
0x2ee: {  	s3 =	rddreg [dreg:$0x2];
	[bflag:$0x3] =	sbarrier.arrive $0xFFFF;
	s2 =	simm.s32 @!p0 $0x1C04  }
0x2ef: {  	[timem:s3], [sflag:s2] =	dma.local @!p0 [hbm:s0], s1  }
0x2f0: {  	s0 =	simm.s32 @!p0 $0x4  }
0x2f1: {  	_ =	swait.ge @!p0 [sflag:s0], s1  }
0x2f2: {  	s1 =	ssub.s32 @!p0 $0x0, s1;
	[sflag:s0] =	ssyncset.done @!p0 $0x0  }
0x2f3: {  	[sflag:s0] =	ssyncadd.s32 @!p0 s1  }
0x2f4: {  	[bflag:$0x3] =	sbarrier.arrive $0xFFFF  }
0x2f5: {  	_ =	shalt  }

</sc_bundles>
